<compile_context>
chip_gen: v7x
topology: tpu7x:2x2x1
jax: 0.10.2.dev20260603
libtpu: 0.0.44.dev20260713+nightly
codegen_flags: <defaults>
</compile_context>

<pallas_src>
import functools

import jax
import jax.numpy as jnp
from jax import lax
from jax.experimental import pallas as pl
from jax.experimental.pallas import tpu as pltpu
from jax.experimental.pallas import tpu_sc as plsc

S, D, H, E = 2048, 768, 768, 8
BLK = 256
NBLK = -(-(S + E * (BLK - 1)) // BLK)
NPAD = NBLK * BLK
NC, NS = 2, 16
NW = NC * NS
TPB = S // NW


def _router_body(x_ref, rw_ref, rb_ref, pos_ref, be_ref, w_ref, aux_ref):
    x = x_ref[...]
    rw = rw_ref[...]
    rb = rb_ref[...]
    logits = lax.dot_general(x, rw, (((1,), (1,)), ((), ())),
                             preferred_element_type=jnp.float32)
    logits = logits + rb
    aux_ref[...] = (0.01 / (S * E)) * jnp.sum(
        logits * logits, axis=(0, 1), keepdims=True)

    scores = jax.nn.sigmoid(logits)
    m = jnp.max(scores, axis=1, keepdims=True)
    eidx = lax.broadcasted_iota(jnp.int32, (S, E), 1)
    choice = jnp.min(jnp.where(scores == m, eidx, E), axis=1, keepdims=True)
    weight = m / (m + 1e-6)
    w_ref[...] = jnp.broadcast_to(weight, (S, 128))

    onehot = (eidx == choice).astype(jnp.float32)
    c = onehot
    sh = 1
    while sh < S:
        c = c + jnp.concatenate([jnp.zeros((sh, E), jnp.float32), c[:-sh]], 0)
        sh *= 2
    rank = c - onehot
    counts = c[S - 1:S, :]
    pc = jnp.floor((counts + (BLK - 1)) * (1.0 / BLK)) * BLK
    c2 = pc
    sh = 1
    while sh < E:
        c2 = c2 + jnp.concatenate(
            [jnp.zeros((1, sh), jnp.float32), c2[:, :-sh]], 1)
        sh *= 2
    ps = c2 - pc
    posf = jnp.sum(onehot * (rank + ps), axis=1, keepdims=True)
    pos_ref[...] = posf.astype(jnp.int32)

    pend = ps + pc
    jb = lax.broadcasted_iota(jnp.int32, (NBLK, 1), 0).astype(jnp.float32) * BLK
    bef = jnp.sum((jb >= pend).astype(jnp.float32), axis=1, keepdims=True)
    be_ref[...] = jnp.minimum(bef, E - 1).astype(jnp.int32)


_router_call = pl.pallas_call(
    _router_body,
    out_shape=(
        jax.ShapeDtypeStruct((S, 1), jnp.int32),
        jax.ShapeDtypeStruct((NBLK, 1), jnp.int32),
        jax.ShapeDtypeStruct((S, 128), jnp.float32),
        jax.ShapeDtypeStruct((1, 1), jnp.float32),
    ),
)


@functools.cache
def _get_dispatch_call():
    mesh = plsc.VectorSubcoreMesh(core_axis_name="c", subcore_axis_name="s")

    @functools.partial(
        pl.kernel,
        mesh=mesh,
        out_type=[
            jax.ShapeDtypeStruct((NPAD, D), jnp.float32),
            jax.ShapeDtypeStruct((NPAD, 128), jnp.float32),
        ],
        scratch_types=[
            pltpu.VMEM((TPB,), jnp.int32),
            pltpu.VMEM((TPB, D), jnp.float32),
            pltpu.VMEM((TPB, 128), jnp.float32),
            pltpu.SemaphoreType.DMA,
            pltpu.SemaphoreType.DMA,
            pltpu.SemaphoreType.DMA,
        ],
    )
    def _dispatch_call(x_hbm, pos_hbm, w_hbm, xs_hbm, ws_hbm,
                       idx_v, rows_v, wrows_v, sem1, sem2, sem3):
        wid = lax.axis_index("s") * NC + lax.axis_index("c")
        base = wid * TPB
        cp = pltpu.async_copy(pos_hbm.at[pl.ds(base, TPB)], idx_v, sem3)
        cx = pltpu.async_copy(x_hbm.at[pl.ds(base, TPB)], rows_v, sem1)
        cw = pltpu.async_copy(w_hbm.at[pl.ds(base, TPB)], wrows_v, sem2)
        cp.wait()
        cx.wait()
        c1 = pltpu.async_copy(rows_v, xs_hbm.at[idx_v], sem1)
        cw.wait()
        c2 = pltpu.async_copy(wrows_v, ws_hbm.at[idx_v], sem2)
        c1.wait()
        c2.wait()

    return _dispatch_call


def _expert_body(be_ref, xs_ref, w12_hbm, w3_hbm, ws_ref, o_ref,
                 w12_buf, w3_buf, s12, s3, st_ref):
    j = pl.program_id(0)
    e = be_ref[j]

    @pl.when(j == 0)
    def _():
        st_ref[0] = jnp.int32(-1)
        st_ref[9] = jnp.int32(0)

    for d in (0, 1, 2, 3):
        t = be_ref[jnp.minimum(j + d, NBLK - 1)]

        @pl.when(t > st_ref[0])
        def _():
            k = st_ref[9]
            slot = lax.rem(k, 4)
            pltpu.make_async_copy(w12_hbm.at[t], w12_buf.at[slot],
                                  s12.at[slot]).start()
            pltpu.make_async_copy(w3_hbm.at[t], w3_buf.at[slot],
                                  s3.at[slot]).start()
            st_ref[1 + t] = slot
            st_ref[9] = k + 1
            st_ref[0] = t

    slot = st_ref[1 + e]
    first = jnp.logical_or(j == 0, be_ref[jnp.maximum(j - 1, 0)] != e)

    @pl.when(first)
    def _():
        pltpu.make_async_copy(w12_hbm.at[e], w12_buf.at[slot],
                              s12.at[slot]).wait()
        pltpu.make_async_copy(w3_hbm.at[e], w3_buf.at[slot],
                              s3.at[slot]).wait()

    xb = xs_ref[...]
    w12b = w12_buf[slot]
    h12 = lax.dot_general(xb, w12b, (((1,), (1,)), ((), ())),
                          preferred_element_type=jnp.float32)
    x1 = h12[:, :H]
    x2 = h12[:, H:]
    hidden = x1 * jax.nn.sigmoid(x1) * x2
    w3b = w3_buf[slot]
    ob = lax.dot_general(hidden, w3b, (((1,), (1,)), ((), ())),
                         preferred_element_type=jnp.float32)
    o_ref[...] = ob * ws_ref[:, 0:1]


_expert_call = pl.pallas_call(
    _expert_body,
    grid_spec=pltpu.PrefetchScalarGridSpec(
        num_scalar_prefetch=1,
        grid=(NBLK,),
        in_specs=[
            pl.BlockSpec((BLK, D), lambda i, be: (i, 0)),
            pl.BlockSpec(memory_space=pl.ANY),
            pl.BlockSpec(memory_space=pl.ANY),
            pl.BlockSpec((BLK, 128), lambda i, be: (i, 0)),
        ],
        out_specs=pl.BlockSpec((BLK, D), lambda i, be: (i, 0)),
        scratch_shapes=[
            pltpu.VMEM((4, 2 * H, D), jnp.float32),
            pltpu.VMEM((4, D, H), jnp.float32),
            pltpu.SemaphoreType.DMA((4,)),
            pltpu.SemaphoreType.DMA((4,)),
            pltpu.SMEM((10,), jnp.int32),
        ],
    ),
    out_shape=jax.ShapeDtypeStruct((NPAD, D), jnp.float32),
)


@functools.cache
def _get_combine_call():
    mesh = plsc.VectorSubcoreMesh(core_axis_name="c", subcore_axis_name="s")

    @functools.partial(
        pl.kernel,
        mesh=mesh,
        out_type=jax.ShapeDtypeStruct((S, D), jnp.float32),
        scratch_types=[
            pltpu.VMEM((TPB,), jnp.int32),
            pltpu.VMEM((TPB, D), jnp.float32),
            pltpu.SemaphoreType.DMA,
        ],
    )
    def _combine_call(osc_hbm, pos_hbm, out_hbm, idx_v, rows_v, sem):
        wid = lax.axis_index("s") * NC + lax.axis_index("c")
        base = wid * TPB
        pltpu.sync_copy(pos_hbm.at[pl.ds(base, TPB)], idx_v)
        pltpu.async_copy(osc_hbm.at[idx_v], rows_v, sem).wait()
        pltpu.sync_copy(rows_v, out_hbm.at[pl.ds(base, TPB)])

    return _combine_call


def kernel(x, router_w, router_b, w12, w3):
    x2 = x.reshape(S, D)
    rb2 = router_b.reshape(1, E)
    pos2, be2, wrows, aux = _router_call(x2, router_w, rb2)
    pos = pos2.reshape(S)
    be = be2.reshape(NBLK)
    xs, ws = _get_dispatch_call()(x2, pos, wrows)
    osc = _expert_call(be, xs, w12, w3, ws)
    out = _get_combine_call()(osc, pos)
    return out.reshape(1, S, D), aux.reshape(())

# --- scband reference (transcript-rebuilt; emitter-appended) ---
"""Pipeline reference for scband-sigmoid-mo-e-6614249636438 (READ-ONLY COPY).

The authoritative reference and input builder live on the scoring server;
editing this copy changes nothing except your own understanding.
"""

import jax, jax.numpy as jnp
import numpy as np

B, S, D = 1, 2048, 768
H = 768
E = 8
K = 1

def setup_inputs(seed: int = 0) -> dict:
    key = jax.random.key(seed)
    ks = jax.random.split(key, 5)
    x = jax.random.normal(ks[0], (B, S, D), dtype=jnp.float32)
    # NOTE: torch init zeros the router, which degenerately routes every token to expert 0.
    # We use small random router weights so top-k routing is non-trivial while keeping the math identical.
    router_w = jax.random.normal(ks[1], (E, D), dtype=jnp.float32) * 0.02
    router_b = jnp.zeros((E,), dtype=jnp.float32)
    w12 = jax.random.normal(ks[2], (E, 2 * H, D), dtype=jnp.float32) * 0.02
    w3 = jax.random.normal(ks[3], (E, D, H), dtype=jnp.float32) * 0.02
    return {"x": x, "router_w": router_w, "router_b": router_b, "w12": w12, "w3": w3}

def reference(x, router_w, router_b, w12, w3):
    # router (eval mode: no jitter noise, matching module.eval())
    router_logits = jnp.einsum('bsd,ed->bse', x, router_w) + router_b
    scores = jax.nn.sigmoid(router_logits)
    top_k_scores, top_k_indices = jax.lax.top_k(scores, K)
    router_weights = top_k_scores / (jnp.sum(top_k_scores, axis=-1, keepdims=True) + 1e-06)
    out = jnp.zeros_like(x)
    for i in range(K):
        idx = top_k_indices[:, :, i]
        weight = router_weights[:, :, i:i + 1]
        for e in range(E):
            mask = (idx == e)
            # SwiGLU expert e applied densely (same math as torch; torch's mask.any() skip is a
            # runtime optimization only since masked tokens contribute zero)
            x12 = jnp.einsum('bsd,hd->bsh', x, w12[e])
            x1, x2 = jnp.split(x12, 2, axis=-1)
            hidden = jax.nn.silu(x1) * x2
            expert_out = jnp.einsum('bsh,dh->bsd', hidden, w3[e])
            out = out + expert_out * weight * mask[..., None]
    aux_loss = 0.01 * jnp.mean(router_logits ** 2)
    return (out, aux_loss)

if __name__ == "__main__":
    import jax
    _d = setup_inputs()
    print(jax.jit(kernel)(*tuple(_d.values())))

</pallas_src>

<mosaic_0001>
#map = affine_map<(d0, d1) -> (0, 0)>
#map1 = affine_map<(d0, d1) -> (0)>
module attributes {stable_mosaic.version = 14 : i64} {
  func.func @_combine_call(%arg0: i32, %arg1: i32, %arg2: memref<4096x768xf32, #tpu.memory_space<hbm>>, %arg3: memref<2048xi32, #tpu.memory_space<hbm>>, %arg4: memref<2048x768xf32, #tpu.memory_space<hbm>>, %arg5: memref<64xi32, #tpu.memory_space<vmem>>, %arg6: memref<64x768xf32, #tpu.memory_space<vmem>>, %arg7: memref<!tpu.dma_semaphore, #tpu.memory_space<semaphore_mem>>) attributes {dimension_semantics = [#tpu.dimension_semantics<core_parallel>, #tpu.dimension_semantics<subcore_parallel>], iteration_bounds = array<i64: 2, 16>, scalar_prefetch = 0 : i64, scratch_operands = 3 : i64, tpu.core_type = #tpu.core_type<sc_vector_subcore>, window_params = [{transform_indices = #map}, {transform_indices = #map1}, {transform_indices = #map}]} {
    %mul3A = arith.constant 2 : i32
    %mul3A_0 = arith.muli %arg1, %mul3A : i32
    %add3A = arith.addi %mul3A_0, %arg0 : i32
    %mul3A_1 = arith.constant 64 : i32
    %mul3A_2 = arith.muli %add3A, %mul3A_1 : i32
    "tpu.region"() ({
      %run_scoped3A = tpu.sem_alloc : memref<!tpu.dma_semaphore, #tpu.memory_space<semaphore_mem>>
      %dma_start3A_7 = tpu.memref_slice %arg3[%mul3A_2] : memref<2048xi32, #tpu.memory_space<hbm>> -> memref<64xi32, #tpu.memory_space<hbm>>
      %dma_start3A_8 = tpu.memref_slice %arg3[%mul3A_2] : memref<2048xi32, #tpu.memory_space<hbm>> -> memref<64xi32, #tpu.memory_space<hbm>>
      tpu.enqueue_dma source(%dma_start3A_8 : memref<64xi32, #tpu.memory_space<hbm>>) target(%arg5 : memref<64xi32, #tpu.memory_space<vmem>>) target_semaphore(%run_scoped3A : memref<!tpu.dma_semaphore, #tpu.memory_space<semaphore_mem>>)
      %dma_wait3A_9 = tpu.memref_slice %arg3[%mul3A_2] : memref<2048xi32, #tpu.memory_space<hbm>> -> memref<64xi32, #tpu.memory_space<hbm>>
      %dma_wait3A_10 = tpu.memref_slice %arg3[%mul3A_2] : memref<2048xi32, #tpu.memory_space<hbm>> -> memref<64xi32, #tpu.memory_space<hbm>>
      tpu.wait_dma2 semaphore(%run_scoped3A : memref<!tpu.dma_semaphore, #tpu.memory_space<semaphore_mem>>) src(%dma_wait3A_10 : memref<64xi32, #tpu.memory_space<hbm>>) dst(%arg5 : memref<64xi32, #tpu.memory_space<vmem>>)
      tpu.yield
    }) : () -> ()
    %dma_start3A = arith.constant 0 : i32
    %dma_start3A_3 = arith.constant 0 : i32
    %dma_start3A_4 = tpu.memref_slice %arg2[%dma_start3A, %dma_start3A_3] : memref<4096x768xf32, #tpu.memory_space<hbm>> -> memref<4096x768xf32, #tpu.memory_space<hbm>>
    tpu.enqueue_indirect_dma source(%dma_start3A_4 : memref<4096x768xf32, #tpu.memory_space<hbm>>) target(%arg6 : memref<64x768xf32, #tpu.memory_space<vmem>>) offsets(%arg5 : memref<64xi32, #tpu.memory_space<vmem>>) semaphore(%arg7 : memref<!tpu.dma_semaphore, #tpu.memory_space<semaphore_mem>>)
    %dma_wait3A = arith.constant 0 : i32
    %dma_wait3A_5 = arith.constant 0 : i32
    %dma_wait3A_6 = tpu.memref_slice %arg2[%dma_wait3A, %dma_wait3A_5] : memref<4096x768xf32, #tpu.memory_space<hbm>> -> memref<4096x768xf32, #tpu.memory_space<hbm>>
    tpu.wait_indirect_dma semaphore(%arg7 : memref<!tpu.dma_semaphore, #tpu.memory_space<semaphore_mem>>) src(%dma_wait3A_6 : memref<4096x768xf32, #tpu.memory_space<hbm>>) dst(%arg6 : memref<64x768xf32, #tpu.memory_space<vmem>>)
    "tpu.region"() ({
      %run_scoped3A = tpu.sem_alloc : memref<!tpu.dma_semaphore, #tpu.memory_space<semaphore_mem>>
      %dma_start3A_7 = arith.constant 0 : i32
      %dma_start3A_8 = tpu.memref_slice %arg4[%mul3A_2, %dma_start3A_7] : memref<2048x768xf32, #tpu.memory_space<hbm>> -> memref<64x768xf32, #tpu.memory_space<hbm>>
      %dma_start3A_9 = arith.constant 0 : i32
      %dma_start3A_10 = tpu.memref_slice %arg4[%mul3A_2, %dma_start3A_9] : memref<2048x768xf32, #tpu.memory_space<hbm>> -> memref<64x768xf32, #tpu.memory_space<hbm>>
      tpu.enqueue_dma source(%arg6 : memref<64x768xf32, #tpu.memory_space<vmem>>) target(%dma_start3A_10 : memref<64x768xf32, #tpu.memory_space<hbm>>) target_semaphore(%run_scoped3A : memref<!tpu.dma_semaphore, #tpu.memory_space<semaphore_mem>>)
      %dma_wait3A_11 = arith.constant 0 : i32
      %dma_wait3A_12 = tpu.memref_slice %arg4[%mul3A_2, %dma_wait3A_11] : memref<2048x768xf32, #tpu.memory_space<hbm>> -> memref<64x768xf32, #tpu.memory_space<hbm>>
      %dma_wait3A_13 = arith.constant 0 : i32
      %dma_wait3A_14 = tpu.memref_slice %arg4[%mul3A_2, %dma_wait3A_13] : memref<2048x768xf32, #tpu.memory_space<hbm>> -> memref<64x768xf32, #tpu.memory_space<hbm>>
      tpu.wait_dma2 semaphore(%run_scoped3A : memref<!tpu.dma_semaphore, #tpu.memory_space<semaphore_mem>>) src(%arg6 : memref<64x768xf32, #tpu.memory_space<vmem>>) dst(%dma_wait3A_14 : memref<64x768xf32, #tpu.memory_space<hbm>>)
      tpu.yield
    }) : () -> ()
    return
  }
}

#map = affine_map<(d0, d1) -> (0, 0)>
#map1 = affine_map<(d0, d1) -> (0)>
module attributes {stable_mosaic.version = 14 : i64} {
  func.func @_dispatch_call(%arg0: i32, %arg1: i32, %arg2: memref<2048x768xf32, #tpu.memory_space<hbm>>, %arg3: memref<2048xi32, #tpu.memory_space<hbm>>, %arg4: memref<2048x128xf32, #tpu.memory_space<hbm>>, %arg5: memref<4096x768xf32, #tpu.memory_space<hbm>>, %arg6: memref<4096x128xf32, #tpu.memory_space<hbm>>, %arg7: memref<64xi32, #tpu.memory_space<vmem>>, %arg8: memref<64x768xf32, #tpu.memory_space<vmem>>, %arg9: memref<64x128xf32, #tpu.memory_space<vmem>>, %arg10: memref<!tpu.dma_semaphore, #tpu.memory_space<semaphore_mem>>, %arg11: memref<!tpu.dma_semaphore, #tpu.memory_space<semaphore_mem>>, %arg12: memref<!tpu.dma_semaphore, #tpu.memory_space<semaphore_mem>>) attributes {dimension_semantics = [#tpu.dimension_semantics<core_parallel>, #tpu.dimension_semantics<subcore_parallel>], iteration_bounds = array<i64: 2, 16>, scalar_prefetch = 0 : i64, scratch_operands = 6 : i64, tpu.core_type = #tpu.core_type<sc_vector_subcore>, window_params = [{transform_indices = #map}, {transform_indices = #map1}, {transform_indices = #map}, {transform_indices = #map}, {transform_indices = #map}]} {
    %mul3A = arith.constant 2 : i32
    %mul3A_0 = arith.muli %arg1, %mul3A : i32
    %add3A = arith.addi %mul3A_0, %arg0 : i32
    %mul3A_1 = arith.constant 64 : i32
    %mul3A_2 = arith.muli %add3A, %mul3A_1 : i32
    %dma_start3A = tpu.memref_slice %arg3[%mul3A_2] : memref<2048xi32, #tpu.memory_space<hbm>> -> memref<64xi32, #tpu.memory_space<hbm>>
    %dma_start3A_3 = tpu.memref_slice %arg3[%mul3A_2] : memref<2048xi32, #tpu.memory_space<hbm>> -> memref<64xi32, #tpu.memory_space<hbm>>
    tpu.enqueue_dma source(%dma_start3A_3 : memref<64xi32, #tpu.memory_space<hbm>>) target(%arg7 : memref<64xi32, #tpu.memory_space<vmem>>) target_semaphore(%arg12 : memref<!tpu.dma_semaphore, #tpu.memory_space<semaphore_mem>>)
    %dma_start3A_4 = arith.constant 0 : i32
    %dma_start3A_5 = tpu.memref_slice %arg2[%mul3A_2, %dma_start3A_4] : memref<2048x768xf32, #tpu.memory_space<hbm>> -> memref<64x768xf32, #tpu.memory_space<hbm>>
    %dma_start3A_6 = arith.constant 0 : i32
    %dma_start3A_7 = tpu.memref_slice %arg2[%mul3A_2, %dma_start3A_6] : memref<2048x768xf32, #tpu.memory_space<hbm>> -> memref<64x768xf32, #tpu.memory_space<hbm>>
    tpu.enqueue_dma source(%dma_start3A_7 : memref<64x768xf32, #tpu.memory_space<hbm>>) target(%arg8 : memref<64x768xf32, #tpu.memory_space<vmem>>) target_semaphore(%arg10 : memref<!tpu.dma_semaphore, #tpu.memory_space<semaphore_mem>>)
    %dma_start3A_8 = arith.constant 0 : i32
    %dma_start3A_9 = tpu.memref_slice %arg4[%mul3A_2, %dma_start3A_8] : memref<2048x128xf32, #tpu.memory_space<hbm>> -> memref<64x128xf32, #tpu.memory_space<hbm>>
    %dma_start3A_10 = arith.constant 0 : i32
    %dma_start3A_11 = tpu.memref_slice %arg4[%mul3A_2, %dma_start3A_10] : memref<2048x128xf32, #tpu.memory_space<hbm>> -> memref<64x128xf32, #tpu.memory_space<hbm>>
    tpu.enqueue_dma source(%dma_start3A_11 : memref<64x128xf32, #tpu.memory_space<hbm>>) target(%arg9 : memref<64x128xf32, #tpu.memory_space<vmem>>) target_semaphore(%arg11 : memref<!tpu.dma_semaphore, #tpu.memory_space<semaphore_mem>>)
    %dma_wait3A = tpu.memref_slice %arg3[%mul3A_2] : memref<2048xi32, #tpu.memory_space<hbm>> -> memref<64xi32, #tpu.memory_space<hbm>>
    %dma_wait3A_12 = tpu.memref_slice %arg3[%mul3A_2] : memref<2048xi32, #tpu.memory_space<hbm>> -> memref<64xi32, #tpu.memory_space<hbm>>
    tpu.wait_dma2 semaphore(%arg12 : memref<!tpu.dma_semaphore, #tpu.memory_space<semaphore_mem>>) src(%dma_wait3A_12 : memref<64xi32, #tpu.memory_space<hbm>>) dst(%arg7 : memref<64xi32, #tpu.memory_space<vmem>>)
    %dma_wait3A_13 = arith.constant 0 : i32
    %dma_wait3A_14 = tpu.memref_slice %arg2[%mul3A_2, %dma_wait3A_13] : memref<2048x768xf32, #tpu.memory_space<hbm>> -> memref<64x768xf32, #tpu.memory_space<hbm>>
    %dma_wait3A_15 = arith.constant 0 : i32
    %dma_wait3A_16 = tpu.memref_slice %arg2[%mul3A_2, %dma_wait3A_15] : memref<2048x768xf32, #tpu.memory_space<hbm>> -> memref<64x768xf32, #tpu.memory_space<hbm>>
    tpu.wait_dma2 semaphore(%arg10 : memref<!tpu.dma_semaphore, #tpu.memory_space<semaphore_mem>>) src(%dma_wait3A_16 : memref<64x768xf32, #tpu.memory_space<hbm>>) dst(%arg8 : memref<64x768xf32, #tpu.memory_space<vmem>>)
    %dma_start3A_17 = arith.constant 0 : i32
    %dma_start3A_18 = arith.constant 0 : i32
    %dma_start3A_19 = tpu.memref_slice %arg5[%dma_start3A_17, %dma_start3A_18] : memref<4096x768xf32, #tpu.memory_space<hbm>> -> memref<4096x768xf32, #tpu.memory_space<hbm>>
    tpu.enqueue_indirect_dma source(%arg8 : memref<64x768xf32, #tpu.memory_space<vmem>>) target(%dma_start3A_19 : memref<4096x768xf32, #tpu.memory_space<hbm>>) offsets(%arg7 : memref<64xi32, #tpu.memory_space<vmem>>) semaphore(%arg10 : memref<!tpu.dma_semaphore, #tpu.memory_space<semaphore_mem>>)
    %dma_wait3A_20 = arith.constant 0 : i32
    %dma_wait3A_21 = tpu.memref_slice %arg4[%mul3A_2, %dma_wait3A_20] : memref<2048x128xf32, #tpu.memory_space<hbm>> -> memref<64x128xf32, #tpu.memory_space<hbm>>
    %dma_wait3A_22 = arith.constant 0 : i32
    %dma_wait3A_23 = tpu.memref_slice %arg4[%mul3A_2, %dma_wait3A_22] : memref<2048x128xf32, #tpu.memory_space<hbm>> -> memref<64x128xf32, #tpu.memory_space<hbm>>
    tpu.wait_dma2 semaphore(%arg11 : memref<!tpu.dma_semaphore, #tpu.memory_space<semaphore_mem>>) src(%dma_wait3A_23 : memref<64x128xf32, #tpu.memory_space<hbm>>) dst(%arg9 : memref<64x128xf32, #tpu.memory_space<vmem>>)
    %dma_start3A_24 = arith.constant 0 : i32
    %dma_start3A_25 = arith.constant 0 : i32
    %dma_start3A_26 = tpu.memref_slice %arg6[%dma_start3A_24, %dma_start3A_25] : memref<4096x128xf32, #tpu.memory_space<hbm>> -> memref<4096x128xf32, #tpu.memory_space<hbm>>
    tpu.enqueue_indirect_dma source(%arg9 : memref<64x128xf32, #tpu.memory_space<vmem>>) target(%dma_start3A_26 : memref<4096x128xf32, #tpu.memory_space<hbm>>) offsets(%arg7 : memref<64xi32, #tpu.memory_space<vmem>>) semaphore(%arg11 : memref<!tpu.dma_semaphore, #tpu.memory_space<semaphore_mem>>)
    %dma_wait3A_27 = arith.constant 0 : i32
    %dma_wait3A_28 = arith.constant 0 : i32
    %dma_wait3A_29 = tpu.memref_slice %arg5[%dma_wait3A_27, %dma_wait3A_28] : memref<4096x768xf32, #tpu.memory_space<hbm>> -> memref<4096x768xf32, #tpu.memory_space<hbm>>
    tpu.wait_indirect_dma semaphore(%arg10 : memref<!tpu.dma_semaphore, #tpu.memory_space<semaphore_mem>>) src(%arg8 : memref<64x768xf32, #tpu.memory_space<vmem>>) dst(%dma_wait3A_29 : memref<4096x768xf32, #tpu.memory_space<hbm>>)
    %dma_wait3A_30 = arith.constant 0 : i32
    %dma_wait3A_31 = arith.constant 0 : i32
    %dma_wait3A_32 = tpu.memref_slice %arg6[%dma_wait3A_30, %dma_wait3A_31] : memref<4096x128xf32, #tpu.memory_space<hbm>> -> memref<4096x128xf32, #tpu.memory_space<hbm>>
    tpu.wait_indirect_dma semaphore(%arg11 : memref<!tpu.dma_semaphore, #tpu.memory_space<semaphore_mem>>) src(%arg9 : memref<64x128xf32, #tpu.memory_space<vmem>>) dst(%dma_wait3A_32 : memref<4096x128xf32, #tpu.memory_space<hbm>>)
    return
  }
}

module attributes {stable_mosaic.version = 14 : i64} {
  func.func @_expert_body(%arg0: i32, %arg1: memref<16xi32, #tpu.memory_space<smem>>, %arg2: memref<256x768xf32, #tpu.memory_space<vmem>>, %arg3: memref<8x1536x768xf32, #tpu.memory_space<any>>, %arg4: memref<8x768x768xf32, #tpu.memory_space<any>>, %arg5: memref<256x128xf32, #tpu.memory_space<vmem>>, %arg6: memref<256x768xf32, #tpu.memory_space<vmem>>, %arg7: memref<4x1536x768xf32, #tpu.memory_space<vmem>>, %arg8: memref<4x768x768xf32, #tpu.memory_space<vmem>>, %arg9: memref<4x!tpu.dma_semaphore, #tpu.memory_space<semaphore_mem>>, %arg10: memref<4x!tpu.dma_semaphore, #tpu.memory_space<semaphore_mem>>, %arg11: memref<10xi32, #tpu.memory_space<smem>>) attributes {dimension_semantics = [#tpu.dimension_semantics<arbitrary>], iteration_bounds = array<i64: 16>, scalar_prefetch = 1 : i64, scratch_operands = 5 : i64, tpu.core_type = #tpu.core_type<tc>, window_params = [{transform_indices = @transform_0, window_bounds = array<i64: 256, 768>}, {}, {}, {transform_indices = @transform_3, window_bounds = array<i64: 256, 128>}, {transform_indices = @transform_4, window_bounds = array<i64: 256, 768>}]} {
    %get3A = arith.index_cast %arg0 : i32 to index
    %get3A_0 = memref.load %arg1[%get3A] : memref<16xi32, #tpu.memory_space<smem>>
    %eq3A = arith.constant 0 : i32
    %eq3A_1 = arith.cmpi eq, %arg0, %eq3A : i32
    %convert_element_type3A = arith.extui %eq3A_1 : i1 to i32
    %cond3A = arith.constant 0 : i32
    %cond3A_2 = arith.cmpi ne, %convert_element_type3A, %cond3A : i32
    scf.if %cond3A_2 {
      %swap3A_91 = arith.constant -1 : i32
      %swap3A_92 = arith.constant 0 : index
      %swap3A_93 = memref.load %arg11[%swap3A_92] : memref<10xi32, #tpu.memory_space<smem>>
      memref.store %swap3A_91, %arg11[%swap3A_92] : memref<10xi32, #tpu.memory_space<smem>>
      %swap3A_94 = arith.constant 0 : i32
      %swap3A_95 = arith.constant 9 : index
      %swap3A_96 = memref.load %arg11[%swap3A_95] : memref<10xi32, #tpu.memory_space<smem>>
      memref.store %swap3A_94, %arg11[%swap3A_95] : memref<10xi32, #tpu.memory_space<smem>>
    } else {
    }
    %add3A = arith.constant 0 : i32
    %add3A_3 = arith.addi %arg0, %add3A : i32
    %min3A = arith.constant 15 : i32
    %min3A_4 = arith.minsi %add3A_3, %min3A : i32
    %get3A_5 = arith.index_cast %min3A_4 : i32 to index
    %get3A_6 = memref.load %arg1[%get3A_5] : memref<16xi32, #tpu.memory_space<smem>>
    %get3A_7 = arith.constant 0 : index
    %get3A_8 = memref.load %arg11[%get3A_7] : memref<10xi32, #tpu.memory_space<smem>>
    %gt3A = arith.cmpi sgt, %get3A_6, %get3A_8 : i32
    %convert_element_type3A_9 = arith.extui %gt3A : i1 to i32
    %cond3A_10 = arith.constant 0 : i32
    %cond3A_11 = arith.cmpi ne, %convert_element_type3A_9, %cond3A_10 : i32
    scf.if %cond3A_11 {
      %get3A_91 = arith.constant 9 : index
      %get3A_92 = memref.load %arg11[%get3A_91] : memref<10xi32, #tpu.memory_space<smem>>
      %rem3A = arith.constant 4 : i32
      %rem3A_93 = arith.remsi %get3A_92, %rem3A : i32
      %dma_start3A = tpu.memref_slice %arg9[%rem3A_93] : memref<4x!tpu.dma_semaphore, #tpu.memory_space<semaphore_mem>> -> memref<1x!tpu.dma_semaphore, #tpu.memory_space<semaphore_mem>>
      %dma_start3A_94 = tpu.memref_squeeze %dma_start3A : memref<1x!tpu.dma_semaphore, #tpu.memory_space<semaphore_mem>> -> memref<!tpu.dma_semaphore, #tpu.memory_space<semaphore_mem>>
      %dma_start3A_95 = arith.constant 0 : i32
      %dma_start3A_96 = arith.constant 0 : i32
      %dma_start3A_97 = tpu.memref_slice %arg7[%rem3A_93, %dma_start3A_95, %dma_start3A_96] : memref<4x1536x768xf32, #tpu.memory_space<vmem>> -> memref<1x1536x768xf32, #tpu.memory_space<vmem>>
      %dma_start3A_98 = tpu.memref_squeeze %dma_start3A_97 : memref<1x1536x768xf32, #tpu.memory_space<vmem>> -> memref<1536x768xf32, #tpu.memory_space<vmem>>
      %dma_start3A_99 = arith.constant 0 : i32
      %dma_start3A_100 = arith.constant 0 : i32
      %dma_start3A_101 = tpu.memref_slice %arg3[%get3A_6, %dma_start3A_99, %dma_start3A_100] : memref<8x1536x768xf32, #tpu.memory_space<any>> -> memref<1x1536x768xf32, #tpu.memory_space<any>>
      %dma_start3A_102 = tpu.memref_squeeze %dma_start3A_101 : memref<1x1536x768xf32, #tpu.memory_space<any>> -> memref<1536x768xf32, #tpu.memory_space<any>>
      tpu.enqueue_dma source(%dma_start3A_102 : memref<1536x768xf32, #tpu.memory_space<any>>) target(%dma_start3A_98 : memref<1536x768xf32, #tpu.memory_space<vmem>>) target_semaphore(%dma_start3A_94 : memref<!tpu.dma_semaphore, #tpu.memory_space<semaphore_mem>>)
      %dma_start3A_103 = tpu.memref_slice %arg10[%rem3A_93] : memref<4x!tpu.dma_semaphore, #tpu.memory_space<semaphore_mem>> -> memref<1x!tpu.dma_semaphore, #tpu.memory_space<semaphore_mem>>
      %dma_start3A_104 = tpu.memref_squeeze %dma_start3A_103 : memref<1x!tpu.dma_semaphore, #tpu.memory_space<semaphore_mem>> -> memref<!tpu.dma_semaphore, #tpu.memory_space<semaphore_mem>>
      %dma_start3A_105 = arith.constant 0 : i32
      %dma_start3A_106 = arith.constant 0 : i32
      %dma_start3A_107 = tpu.memref_slice %arg8[%rem3A_93, %dma_start3A_105, %dma_start3A_106] : memref<4x768x768xf32, #tpu.memory_space<vmem>> -> memref<1x768x768xf32, #tpu.memory_space<vmem>>
      %dma_start3A_108 = tpu.memref_squeeze %dma_start3A_107 : memref<1x768x768xf32, #tpu.memory_space<vmem>> -> memref<768x768xf32, #tpu.memory_space<vmem>>
      %dma_start3A_109 = arith.constant 0 : i32
      %dma_start3A_110 = arith.constant 0 : i32
      %dma_start3A_111 = tpu.memref_slice %arg4[%get3A_6, %dma_start3A_109, %dma_start3A_110] : memref<8x768x768xf32, #tpu.memory_space<any>> -> memref<1x768x768xf32, #tpu.memory_space<any>>
      %dma_start3A_112 = tpu.memref_squeeze %dma_start3A_111 : memref<1x768x768xf32, #tpu.memory_space<any>> -> memref<768x768xf32, #tpu.memory_space<any>>
      tpu.enqueue_dma source(%dma_start3A_112 : memref<768x768xf32, #tpu.memory_space<any>>) target(%dma_start3A_108 : memref<768x768xf32, #tpu.memory_space<vmem>>) target_semaphore(%dma_start3A_104 : memref<!tpu.dma_semaphore, #tpu.memory_space<semaphore_mem>>)
      %add3A_113 = arith.constant 1 : i32
      %add3A_114 = arith.addi %add3A_113, %get3A_6 : i32
      %swap3A_115 = arith.index_cast %add3A_114 : i32 to index
      %swap3A_116 = memref.load %arg11[%swap3A_115] : memref<10xi32, #tpu.memory_space<smem>>
      memref.store %rem3A_93, %arg11[%swap3A_115] : memref<10xi32, #tpu.memory_space<smem>>
      %add3A_117 = arith.constant 1 : i32
      %add3A_118 = arith.addi %get3A_92, %add3A_117 : i32
      %swap3A_119 = arith.constant 9 : index
      %swap3A_120 = memref.load %arg11[%swap3A_119] : memref<10xi32, #tpu.memory_space<smem>>
      memref.store %add3A_118, %arg11[%swap3A_119] : memref<10xi32, #tpu.memory_space<smem>>
      %swap3A_121 = arith.constant 0 : index
      %swap3A_122 = memref.load %arg11[%swap3A_121] : memref<10xi32, #tpu.memory_space<smem>>
      memref.store %get3A_6, %arg11[%swap3A_121] : memref<10xi32, #tpu.memory_space<smem>>
    } else {
    }
    %add3A_12 = arith.constant 1 : i32
    %add3A_13 = arith.addi %arg0, %add3A_12 : i32
    %min3A_14 = arith.constant 15 : i32
    %min3A_15 = arith.minsi %add3A_13, %min3A_14 : i32
    %get3A_16 = arith.index_cast %min3A_15 : i32 to index
    %get3A_17 = memref.load %arg1[%get3A_16] : memref<16xi32, #tpu.memory_space<smem>>
    %get3A_18 = arith.constant 0 : index
    %get3A_19 = memref.load %arg11[%get3A_18] : memref<10xi32, #tpu.memory_space<smem>>
    %gt3A_20 = arith.cmpi sgt, %get3A_17, %get3A_19 : i32
    %convert_element_type3A_21 = arith.extui %gt3A_20 : i1 to i32
    %cond3A_22 = arith.constant 0 : i32
    %cond3A_23 = arith.cmpi ne, %convert_element_type3A_21, %cond3A_22 : i32
    scf.if %cond3A_23 {
      %get3A_91 = arith.constant 9 : index
      %get3A_92 = memref.load %arg11[%get3A_91] : memref<10xi32, #tpu.memory_space<smem>>
      %rem3A = arith.constant 4 : i32
      %rem3A_93 = arith.remsi %get3A_92, %rem3A : i32
      %dma_start3A = tpu.memref_slice %arg9[%rem3A_93] : memref<4x!tpu.dma_semaphore, #tpu.memory_space<semaphore_mem>> -> memref<1x!tpu.dma_semaphore, #tpu.memory_space<semaphore_mem>>
      %dma_start3A_94 = tpu.memref_squeeze %dma_start3A : memref<1x!tpu.dma_semaphore, #tpu.memory_space<semaphore_mem>> -> memref<!tpu.dma_semaphore, #tpu.memory_space<semaphore_mem>>
      %dma_start3A_95 = arith.constant 0 : i32
      %dma_start3A_96 = arith.constant 0 : i32
      %dma_start3A_97 = tpu.memref_slice %arg7[%rem3A_93, %dma_start3A_95, %dma_start3A_96] : memref<4x1536x768xf32, #tpu.memory_space<vmem>> -> memref<1x1536x768xf32, #tpu.memory_space<vmem>>
      %dma_start3A_98 = tpu.memref_squeeze %dma_start3A_97 : memref<1x1536x768xf32, #tpu.memory_space<vmem>> -> memref<1536x768xf32, #tpu.memory_space<vmem>>
      %dma_start3A_99 = arith.constant 0 : i32
      %dma_start3A_100 = arith.constant 0 : i32
      %dma_start3A_101 = tpu.memref_slice %arg3[%get3A_17, %dma_start3A_99, %dma_start3A_100] : memref<8x1536x768xf32, #tpu.memory_space<any>> -> memref<1x1536x768xf32, #tpu.memory_space<any>>
      %dma_start3A_102 = tpu.memref_squeeze %dma_start3A_101 : memref<1x1536x768xf32, #tpu.memory_space<any>> -> memref<1536x768xf32, #tpu.memory_space<any>>
      tpu.enqueue_dma source(%dma_start3A_102 : memref<1536x768xf32, #tpu.memory_space<any>>) target(%dma_start3A_98 : memref<1536x768xf32, #tpu.memory_space<vmem>>) target_semaphore(%dma_start3A_94 : memref<!tpu.dma_semaphore, #tpu.memory_space<semaphore_mem>>)
      %dma_start3A_103 = tpu.memref_slice %arg10[%rem3A_93] : memref<4x!tpu.dma_semaphore, #tpu.memory_space<semaphore_mem>> -> memref<1x!tpu.dma_semaphore, #tpu.memory_space<semaphore_mem>>
      %dma_start3A_104 = tpu.memref_squeeze %dma_start3A_103 : memref<1x!tpu.dma_semaphore, #tpu.memory_space<semaphore_mem>> -> memref<!tpu.dma_semaphore, #tpu.memory_space<semaphore_mem>>
      %dma_start3A_105 = arith.constant 0 : i32
      %dma_start3A_106 = arith.constant 0 : i32
      %dma_start3A_107 = tpu.memref_slice %arg8[%rem3A_93, %dma_start3A_105, %dma_start3A_106] : memref<4x768x768xf32, #tpu.memory_space<vmem>> -> memref<1x768x768xf32, #tpu.memory_space<vmem>>
      %dma_start3A_108 = tpu.memref_squeeze %dma_start3A_107 : memref<1x768x768xf32, #tpu.memory_space<vmem>> -> memref<768x768xf32, #tpu.memory_space<vmem>>
      %dma_start3A_109 = arith.constant 0 : i32
      %dma_start3A_110 = arith.constant 0 : i32
      %dma_start3A_111 = tpu.memref_slice %arg4[%get3A_17, %dma_start3A_109, %dma_start3A_110] : memref<8x768x768xf32, #tpu.memory_space<any>> -> memref<1x768x768xf32, #tpu.memory_space<any>>
      %dma_start3A_112 = tpu.memref_squeeze %dma_start3A_111 : memref<1x768x768xf32, #tpu.memory_space<any>> -> memref<768x768xf32, #tpu.memory_space<any>>
      tpu.enqueue_dma source(%dma_start3A_112 : memref<768x768xf32, #tpu.memory_space<any>>) target(%dma_start3A_108 : memref<768x768xf32, #tpu.memory_space<vmem>>) target_semaphore(%dma_start3A_104 : memref<!tpu.dma_semaphore, #tpu.memory_space<semaphore_mem>>)
      %add3A_113 = arith.constant 1 : i32
      %add3A_114 = arith.addi %add3A_113, %get3A_17 : i32
      %swap3A_115 = arith.index_cast %add3A_114 : i32 to index
      %swap3A_116 = memref.load %arg11[%swap3A_115] : memref<10xi32, #tpu.memory_space<smem>>
      memref.store %rem3A_93, %arg11[%swap3A_115] : memref<10xi32, #tpu.memory_space<smem>>
      %add3A_117 = arith.constant 1 : i32
      %add3A_118 = arith.addi %get3A_92, %add3A_117 : i32
      %swap3A_119 = arith.constant 9 : index
      %swap3A_120 = memref.load %arg11[%swap3A_119] : memref<10xi32, #tpu.memory_space<smem>>
      memref.store %add3A_118, %arg11[%swap3A_119] : memref<10xi32, #tpu.memory_space<smem>>
      %swap3A_121 = arith.constant 0 : index
      %swap3A_122 = memref.load %arg11[%swap3A_121] : memref<10xi32, #tpu.memory_space<smem>>
      memref.store %get3A_17, %arg11[%swap3A_121] : memref<10xi32, #tpu.memory_space<smem>>
    } else {
    }
    %add3A_24 = arith.constant 2 : i32
    %add3A_25 = arith.addi %arg0, %add3A_24 : i32
    %min3A_26 = arith.constant 15 : i32
    %min3A_27 = arith.minsi %add3A_25, %min3A_26 : i32
    %get3A_28 = arith.index_cast %min3A_27 : i32 to index
    %get3A_29 = memref.load %arg1[%get3A_28] : memref<16xi32, #tpu.memory_space<smem>>
    %get3A_30 = arith.constant 0 : index
    %get3A_31 = memref.load %arg11[%get3A_30] : memref<10xi32, #tpu.memory_space<smem>>
    %gt3A_32 = arith.cmpi sgt, %get3A_29, %get3A_31 : i32
    %convert_element_type3A_33 = arith.extui %gt3A_32 : i1 to i32
    %cond3A_34 = arith.constant 0 : i32
    %cond3A_35 = arith.cmpi ne, %convert_element_type3A_33, %cond3A_34 : i32
    scf.if %cond3A_35 {
      %get3A_91 = arith.constant 9 : index
      %get3A_92 = memref.load %arg11[%get3A_91] : memref<10xi32, #tpu.memory_space<smem>>
      %rem3A = arith.constant 4 : i32
      %rem3A_93 = arith.remsi %get3A_92, %rem3A : i32
      %dma_start3A = tpu.memref_slice %arg9[%rem3A_93] : memref<4x!tpu.dma_semaphore, #tpu.memory_space<semaphore_mem>> -> memref<1x!tpu.dma_semaphore, #tpu.memory_space<semaphore_mem>>
      %dma_start3A_94 = tpu.memref_squeeze %dma_start3A : memref<1x!tpu.dma_semaphore, #tpu.memory_space<semaphore_mem>> -> memref<!tpu.dma_semaphore, #tpu.memory_space<semaphore_mem>>
      %dma_start3A_95 = arith.constant 0 : i32
      %dma_start3A_96 = arith.constant 0 : i32
      %dma_start3A_97 = tpu.memref_slice %arg7[%rem3A_93, %dma_start3A_95, %dma_start3A_96] : memref<4x1536x768xf32, #tpu.memory_space<vmem>> -> memref<1x1536x768xf32, #tpu.memory_space<vmem>>
      %dma_start3A_98 = tpu.memref_squeeze %dma_start3A_97 : memref<1x1536x768xf32, #tpu.memory_space<vmem>> -> memref<1536x768xf32, #tpu.memory_space<vmem>>
      %dma_start3A_99 = arith.constant 0 : i32
      %dma_start3A_100 = arith.constant 0 : i32
      %dma_start3A_101 = tpu.memref_slice %arg3[%get3A_29, %dma_start3A_99, %dma_start3A_100] : memref<8x1536x768xf32, #tpu.memory_space<any>> -> memref<1x1536x768xf32, #tpu.memory_space<any>>
      %dma_start3A_102 = tpu.memref_squeeze %dma_start3A_101 : memref<1x1536x768xf32, #tpu.memory_space<any>> -> memref<1536x768xf32, #tpu.memory_space<any>>
      tpu.enqueue_dma source(%dma_start3A_102 : memref<1536x768xf32, #tpu.memory_space<any>>) target(%dma_start3A_98 : memref<1536x768xf32, #tpu.memory_space<vmem>>) target_semaphore(%dma_start3A_94 : memref<!tpu.dma_semaphore, #tpu.memory_space<semaphore_mem>>)
      %dma_start3A_103 = tpu.memref_slice %arg10[%rem3A_93] : memref<4x!tpu.dma_semaphore, #tpu.memory_space<semaphore_mem>> -> memref<1x!tpu.dma_semaphore, #tpu.memory_space<semaphore_mem>>
      %dma_start3A_104 = tpu.memref_squeeze %dma_start3A_103 : memref<1x!tpu.dma_semaphore, #tpu.memory_space<semaphore_mem>> -> memref<!tpu.dma_semaphore, #tpu.memory_space<semaphore_mem>>
      %dma_start3A_105 = arith.constant 0 : i32
      %dma_start3A_106 = arith.constant 0 : i32
      %dma_start3A_107 = tpu.memref_slice %arg8[%rem3A_93, %dma_start3A_105, %dma_start3A_106] : memref<4x768x768xf32, #tpu.memory_space<vmem>> -> memref<1x768x768xf32, #tpu.memory_space<vmem>>
      %dma_start3A_108 = tpu.memref_squeeze %dma_start3A_107 : memref<1x768x768xf32, #tpu.memory_space<vmem>> -> memref<768x768xf32, #tpu.memory_space<vmem>>
      %dma_start3A_109 = arith.constant 0 : i32
      %dma_start3A_110 = arith.constant 0 : i32
      %dma_start3A_111 = tpu.memref_slice %arg4[%get3A_29, %dma_start3A_109, %dma_start3A_110] : memref<8x768x768xf32, #tpu.memory_space<any>> -> memref<1x768x768xf32, #tpu.memory_space<any>>
      %dma_start3A_112 = tpu.memref_squeeze %dma_start3A_111 : memref<1x768x768xf32, #tpu.memory_space<any>> -> memref<768x768xf32, #tpu.memory_space<any>>
      tpu.enqueue_dma source(%dma_start3A_112 : memref<768x768xf32, #tpu.memory_space<any>>) target(%dma_start3A_108 : memref<768x768xf32, #tpu.memory_space<vmem>>) target_semaphore(%dma_start3A_104 : memref<!tpu.dma_semaphore, #tpu.memory_space<semaphore_mem>>)
      %add3A_113 = arith.constant 1 : i32
      %add3A_114 = arith.addi %add3A_113, %get3A_29 : i32
      %swap3A_115 = arith.index_cast %add3A_114 : i32 to index
      %swap3A_116 = memref.load %arg11[%swap3A_115] : memref<10xi32, #tpu.memory_space<smem>>
      memref.store %rem3A_93, %arg11[%swap3A_115] : memref<10xi32, #tpu.memory_space<smem>>
      %add3A_117 = arith.constant 1 : i32
      %add3A_118 = arith.addi %get3A_92, %add3A_117 : i32
      %swap3A_119 = arith.constant 9 : index
      %swap3A_120 = memref.load %arg11[%swap3A_119] : memref<10xi32, #tpu.memory_space<smem>>
      memref.store %add3A_118, %arg11[%swap3A_119] : memref<10xi32, #tpu.memory_space<smem>>
      %swap3A_121 = arith.constant 0 : index
      %swap3A_122 = memref.load %arg11[%swap3A_121] : memref<10xi32, #tpu.memory_space<smem>>
      memref.store %get3A_29, %arg11[%swap3A_121] : memref<10xi32, #tpu.memory_space<smem>>
    } else {
    }
    %add3A_36 = arith.constant 3 : i32
    %add3A_37 = arith.addi %arg0, %add3A_36 : i32
    %min3A_38 = arith.constant 15 : i32
    %min3A_39 = arith.minsi %add3A_37, %min3A_38 : i32
    %get3A_40 = arith.index_cast %min3A_39 : i32 to index
    %get3A_41 = memref.load %arg1[%get3A_40] : memref<16xi32, #tpu.memory_space<smem>>
    %get3A_42 = arith.constant 0 : index
    %get3A_43 = memref.load %arg11[%get3A_42] : memref<10xi32, #tpu.memory_space<smem>>
    %gt3A_44 = arith.cmpi sgt, %get3A_41, %get3A_43 : i32
    %convert_element_type3A_45 = arith.extui %gt3A_44 : i1 to i32
    %cond3A_46 = arith.constant 0 : i32
    %cond3A_47 = arith.cmpi ne, %convert_element_type3A_45, %cond3A_46 : i32
    scf.if %cond3A_47 {
      %get3A_91 = arith.constant 9 : index
      %get3A_92 = memref.load %arg11[%get3A_91] : memref<10xi32, #tpu.memory_space<smem>>
      %rem3A = arith.constant 4 : i32
      %rem3A_93 = arith.remsi %get3A_92, %rem3A : i32
      %dma_start3A = tpu.memref_slice %arg9[%rem3A_93] : memref<4x!tpu.dma_semaphore, #tpu.memory_space<semaphore_mem>> -> memref<1x!tpu.dma_semaphore, #tpu.memory_space<semaphore_mem>>
      %dma_start3A_94 = tpu.memref_squeeze %dma_start3A : memref<1x!tpu.dma_semaphore, #tpu.memory_space<semaphore_mem>> -> memref<!tpu.dma_semaphore, #tpu.memory_space<semaphore_mem>>
      %dma_start3A_95 = arith.constant 0 : i32
      %dma_start3A_96 = arith.constant 0 : i32
      %dma_start3A_97 = tpu.memref_slice %arg7[%rem3A_93, %dma_start3A_95, %dma_start3A_96] : memref<4x1536x768xf32, #tpu.memory_space<vmem>> -> memref<1x1536x768xf32, #tpu.memory_space<vmem>>
      %dma_start3A_98 = tpu.memref_squeeze %dma_start3A_97 : memref<1x1536x768xf32, #tpu.memory_space<vmem>> -> memref<1536x768xf32, #tpu.memory_space<vmem>>
      %dma_start3A_99 = arith.constant 0 : i32
      %dma_start3A_100 = arith.constant 0 : i32
      %dma_start3A_101 = tpu.memref_slice %arg3[%get3A_41, %dma_start3A_99, %dma_start3A_100] : memref<8x1536x768xf32, #tpu.memory_space<any>> -> memref<1x1536x768xf32, #tpu.memory_space<any>>
      %dma_start3A_102 = tpu.memref_squeeze %dma_start3A_101 : memref<1x1536x768xf32, #tpu.memory_space<any>> -> memref<1536x768xf32, #tpu.memory_space<any>>
      tpu.enqueue_dma source(%dma_start3A_102 : memref<1536x768xf32, #tpu.memory_space<any>>) target(%dma_start3A_98 : memref<1536x768xf32, #tpu.memory_space<vmem>>) target_semaphore(%dma_start3A_94 : memref<!tpu.dma_semaphore, #tpu.memory_space<semaphore_mem>>)
      %dma_start3A_103 = tpu.memref_slice %arg10[%rem3A_93] : memref<4x!tpu.dma_semaphore, #tpu.memory_space<semaphore_mem>> -> memref<1x!tpu.dma_semaphore, #tpu.memory_space<semaphore_mem>>
      %dma_start3A_104 = tpu.memref_squeeze %dma_start3A_103 : memref<1x!tpu.dma_semaphore, #tpu.memory_space<semaphore_mem>> -> memref<!tpu.dma_semaphore, #tpu.memory_space<semaphore_mem>>
      %dma_start3A_105 = arith.constant 0 : i32
      %dma_start3A_106 = arith.constant 0 : i32
      %dma_start3A_107 = tpu.memref_slice %arg8[%rem3A_93, %dma_start3A_105, %dma_start3A_106] : memref<4x768x768xf32, #tpu.memory_space<vmem>> -> memref<1x768x768xf32, #tpu.memory_space<vmem>>
      %dma_start3A_108 = tpu.memref_squeeze %dma_start3A_107 : memref<1x768x768xf32, #tpu.memory_space<vmem>> -> memref<768x768xf32, #tpu.memory_space<vmem>>
      %dma_start3A_109 = arith.constant 0 : i32
      %dma_start3A_110 = arith.constant 0 : i32
      %dma_start3A_111 = tpu.memref_slice %arg4[%get3A_41, %dma_start3A_109, %dma_start3A_110] : memref<8x768x768xf32, #tpu.memory_space<any>> -> memref<1x768x768xf32, #tpu.memory_space<any>>
      %dma_start3A_112 = tpu.memref_squeeze %dma_start3A_111 : memref<1x768x768xf32, #tpu.memory_space<any>> -> memref<768x768xf32, #tpu.memory_space<any>>
      tpu.enqueue_dma source(%dma_start3A_112 : memref<768x768xf32, #tpu.memory_space<any>>) target(%dma_start3A_108 : memref<768x768xf32, #tpu.memory_space<vmem>>) target_semaphore(%dma_start3A_104 : memref<!tpu.dma_semaphore, #tpu.memory_space<semaphore_mem>>)
      %add3A_113 = arith.constant 1 : i32
      %add3A_114 = arith.addi %add3A_113, %get3A_41 : i32
      %swap3A_115 = arith.index_cast %add3A_114 : i32 to index
      %swap3A_116 = memref.load %arg11[%swap3A_115] : memref<10xi32, #tpu.memory_space<smem>>
      memref.store %rem3A_93, %arg11[%swap3A_115] : memref<10xi32, #tpu.memory_space<smem>>
      %add3A_117 = arith.constant 1 : i32
      %add3A_118 = arith.addi %get3A_92, %add3A_117 : i32
      %swap3A_119 = arith.constant 9 : index
      %swap3A_120 = memref.load %arg11[%swap3A_119] : memref<10xi32, #tpu.memory_space<smem>>
      memref.store %add3A_118, %arg11[%swap3A_119] : memref<10xi32, #tpu.memory_space<smem>>
      %swap3A_121 = arith.constant 0 : index
      %swap3A_122 = memref.load %arg11[%swap3A_121] : memref<10xi32, #tpu.memory_space<smem>>
      memref.store %get3A_41, %arg11[%swap3A_121] : memref<10xi32, #tpu.memory_space<smem>>
    } else {
    }
    %add3A_48 = arith.constant 1 : i32
    %add3A_49 = arith.addi %add3A_48, %get3A_0 : i32
    %get3A_50 = arith.index_cast %add3A_49 : i32 to index
    %get3A_51 = memref.load %arg11[%get3A_50] : memref<10xi32, #tpu.memory_space<smem>>
    %eq3A_52 = arith.constant 0 : i32
    %eq3A_53 = arith.cmpi eq, %arg0, %eq3A_52 : i32
    %sub3A = arith.constant 1 : i32
    %sub3A_54 = arith.subi %arg0, %sub3A : i32
    %max3A = arith.constant 0 : i32
    %max3A_55 = arith.maxsi %sub3A_54, %max3A : i32
    %get3A_56 = arith.index_cast %max3A_55 : i32 to index
    %get3A_57 = memref.load %arg1[%get3A_56] : memref<16xi32, #tpu.memory_space<smem>>
    %ne3A = arith.cmpi ne, %get3A_57, %get3A_0 : i32
    %or3A = arith.ori %eq3A_53, %ne3A : i1
    %convert_element_type3A_58 = arith.extui %or3A : i1 to i32
    %cond3A_59 = arith.constant 0 : i32
    %cond3A_60 = arith.cmpi ne, %convert_element_type3A_58, %cond3A_59 : i32
    scf.if %cond3A_60 {
      %dma_wait3A = tpu.memref_slice %arg9[%get3A_51] : memref<4x!tpu.dma_semaphore, #tpu.memory_space<semaphore_mem>> -> memref<1x!tpu.dma_semaphore, #tpu.memory_space<semaphore_mem>>
      %dma_wait3A_91 = tpu.memref_squeeze %dma_wait3A : memref<1x!tpu.dma_semaphore, #tpu.memory_space<semaphore_mem>> -> memref<!tpu.dma_semaphore, #tpu.memory_space<semaphore_mem>>
      %dma_wait3A_92 = arith.constant 0 : i32
      %dma_wait3A_93 = arith.constant 0 : i32
      %dma_wait3A_94 = tpu.memref_slice %arg7[%get3A_51, %dma_wait3A_92, %dma_wait3A_93] : memref<4x1536x768xf32, #tpu.memory_space<vmem>> -> memref<1x1536x768xf32, #tpu.memory_space<vmem>>
      %dma_wait3A_95 = tpu.memref_squeeze %dma_wait3A_94 : memref<1x1536x768xf32, #tpu.memory_space<vmem>> -> memref<1536x768xf32, #tpu.memory_space<vmem>>
      %dma_wait3A_96 = arith.constant 0 : i32
      %dma_wait3A_97 = arith.constant 0 : i32
      %dma_wait3A_98 = tpu.memref_slice %arg3[%get3A_0, %dma_wait3A_96, %dma_wait3A_97] : memref<8x1536x768xf32, #tpu.memory_space<any>> -> memref<1x1536x768xf32, #tpu.memory_space<any>>
      %dma_wait3A_99 = tpu.memref_squeeze %dma_wait3A_98 : memref<1x1536x768xf32, #tpu.memory_space<any>> -> memref<1536x768xf32, #tpu.memory_space<any>>
      tpu.wait_dma2 semaphore(%dma_wait3A_91 : memref<!tpu.dma_semaphore, #tpu.memory_space<semaphore_mem>>) src(%dma_wait3A_99 : memref<1536x768xf32, #tpu.memory_space<any>>) dst(%dma_wait3A_95 : memref<1536x768xf32, #tpu.memory_space<vmem>>)
      %dma_wait3A_100 = tpu.memref_slice %arg10[%get3A_51] : memref<4x!tpu.dma_semaphore, #tpu.memory_space<semaphore_mem>> -> memref<1x!tpu.dma_semaphore, #tpu.memory_space<semaphore_mem>>
      %dma_wait3A_101 = tpu.memref_squeeze %dma_wait3A_100 : memref<1x!tpu.dma_semaphore, #tpu.memory_space<semaphore_mem>> -> memref<!tpu.dma_semaphore, #tpu.memory_space<semaphore_mem>>
      %dma_wait3A_102 = arith.constant 0 : i32
      %dma_wait3A_103 = arith.constant 0 : i32
      %dma_wait3A_104 = tpu.memref_slice %arg8[%get3A_51, %dma_wait3A_102, %dma_wait3A_103] : memref<4x768x768xf32, #tpu.memory_space<vmem>> -> memref<1x768x768xf32, #tpu.memory_space<vmem>>
      %dma_wait3A_105 = tpu.memref_squeeze %dma_wait3A_104 : memref<1x768x768xf32, #tpu.memory_space<vmem>> -> memref<768x768xf32, #tpu.memory_space<vmem>>
      %dma_wait3A_106 = arith.constant 0 : i32
      %dma_wait3A_107 = arith.constant 0 : i32
      %dma_wait3A_108 = tpu.memref_slice %arg4[%get3A_0, %dma_wait3A_106, %dma_wait3A_107] : memref<8x768x768xf32, #tpu.memory_space<any>> -> memref<1x768x768xf32, #tpu.memory_space<any>>
      %dma_wait3A_109 = tpu.memref_squeeze %dma_wait3A_108 : memref<1x768x768xf32, #tpu.memory_space<any>> -> memref<768x768xf32, #tpu.memory_space<any>>
      tpu.wait_dma2 semaphore(%dma_wait3A_101 : memref<!tpu.dma_semaphore, #tpu.memory_space<semaphore_mem>>) src(%dma_wait3A_109 : memref<768x768xf32, #tpu.memory_space<any>>) dst(%dma_wait3A_105 : memref<768x768xf32, #tpu.memory_space<vmem>>)
    } else {
    }
    %get3A_61 = arith.constant 0 : index
    %get3A_62 = arith.constant 0 : index
    %get3A_63 = vector.load %arg2[%get3A_61, %get3A_62] : memref<256x768xf32, #tpu.memory_space<vmem>>, vector<256x768xf32>
    %get3A_64 = arith.index_cast %get3A_51 : i32 to index
    %get3A_65 = arith.constant 0 : index
    %get3A_66 = arith.constant 0 : index
    %get3A_67 = vector.load %arg7[%get3A_64, %get3A_65, %get3A_66] : memref<4x1536x768xf32, #tpu.memory_space<vmem>>, vector<1x1536x768xf32>
    %get3A_68 = vector.shape_cast %get3A_67 : vector<1x1536x768xf32> to vector<1536x768xf32>
    %dot_general3A = arith.constant dense<0.000000e+00> : vector<256x1536xf32>
    %dot_general3A_69 = tpu.matmul %get3A_63, %get3A_68, %dot_general3A {dimension_numbers = #tpu.dot_dimension_numbers<[1], [1], [0], [0], [0, 0, 1, 0], [], []>, transpose_lhs_hint = false} : vector<256x768xf32>, vector<1536x768xf32>, vector<256x1536xf32> -> vector<256x1536xf32>
    %slice3A = vector.extract_strided_slice %dot_general3A_69 {offsets = [0, 0], sizes = [256, 768], strides = [1, 1]} : vector<256x1536xf32> to vector<256x768xf32>
    %slice3A_70 = vector.extract_strided_slice %dot_general3A_69 {offsets = [0, 768], sizes = [256, 768], strides = [1, 1]} : vector<256x1536xf32> to vector<256x768xf32>
    %logistic3A = arith.negf %slice3A : vector<256x768xf32>
    %logistic3A_71 = math.exp %logistic3A : vector<256x768xf32>
    %logistic3A_72 = arith.constant 1.000000e+00 : f32
    %logistic3A_73 = vector.broadcast %logistic3A_72 : f32 to vector<256x768xf32>
    %logistic3A_74 = arith.addf %logistic3A_73, %logistic3A_71 : vector<256x768xf32>
    %logistic3A_75 = arith.divf %logistic3A_73, %logistic3A_74 : vector<256x768xf32>
    %mul3A = arith.mulf %slice3A, %logistic3A_75 : vector<256x768xf32>
    %mul3A_76 = arith.mulf %mul3A, %slice3A_70 : vector<256x768xf32>
    %get3A_77 = arith.index_cast %get3A_51 : i32 to index
    %get3A_78 = arith.constant 0 : index
    %get3A_79 = arith.constant 0 : index
    %get3A_80 = vector.load %arg8[%get3A_77, %get3A_78, %get3A_79] : memref<4x768x768xf32, #tpu.memory_space<vmem>>, vector<1x768x768xf32>
    %get3A_81 = vector.shape_cast %get3A_80 : vector<1x768x768xf32> to vector<768x768xf32>
    %dot_general3A_82 = arith.constant dense<0.000000e+00> : vector<256x768xf32>
    %dot_general3A_83 = tpu.matmul %mul3A_76, %get3A_81, %dot_general3A_82 {dimension_numbers = #tpu.dot_dimension_numbers<[1], [1], [0], [0], [0, 0, 1, 0], [], []>, transpose_lhs_hint = false} : vector<256x768xf32>, vector<768x768xf32>, vector<256x768xf32> -> vector<256x768xf32>
    %get3A_84 = arith.constant 0 : index
    %get3A_85 = arith.constant 0 : index
    %get3A_86 = vector.load %arg5[%get3A_84, %get3A_85] : memref<256x128xf32, #tpu.memory_space<vmem>>, vector<256x1xf32>
    %mul3A_87 = vector.broadcast %get3A_86 : vector<256x1xf32> to vector<256x768xf32>
    %mul3A_88 = arith.mulf %dot_general3A_83, %mul3A_87 : vector<256x768xf32>
    %swap3A = arith.constant 0 : index
    %swap3A_89 = arith.constant 0 : index
    %swap3A_90 = vector.load %arg6[%swap3A, %swap3A_89] : memref<256x768xf32, #tpu.memory_space<vmem>>, vector<256x768xf32>
    tpu.vector_store %arg6[%swap3A, %swap3A_89], %mul3A_88 {strides = array<i32>} : memref<256x768xf32, #tpu.memory_space<vmem>>, vector<256x768xf32>,
    return
  }
  func.func @transform_0(%arg0: i32, %arg1: memref<16xi32, #tpu.memory_space<smem>>) -> (i32, i32) {
    %c0_i32 = arith.constant 0 : i32
    %c0_i32_0 = arith.constant 0 : i32
    return %arg0, %c0_i32 : i32, i32
  }
  func.func @transform_3(%arg0: i32, %arg1: memref<16xi32, #tpu.memory_space<smem>>) -> (i32, i32) {
    %c0_i32 = arith.constant 0 : i32
    %c0_i32_0 = arith.constant 0 : i32
    return %arg0, %c0_i32 : i32, i32
  }
  func.func @transform_4(%arg0: i32, %arg1: memref<16xi32, #tpu.memory_space<smem>>) -> (i32, i32) {
    %c0_i32 = arith.constant 0 : i32
    %c0_i32_0 = arith.constant 0 : i32
    return %arg0, %c0_i32 : i32, i32
  }
}

module attributes {stable_mosaic.version = 14 : i64} {
  func.func @_router_body(%arg0: memref<2048x768xf32, #tpu.memory_space<vmem>>, %arg1: memref<8x768xf32, #tpu.memory_space<vmem>>, %arg2: memref<1x8xf32, #tpu.memory_space<vmem>>, %arg3: memref<2048x1xi32, #tpu.memory_space<vmem>>, %arg4: memref<16x1xi32, #tpu.memory_space<vmem>>, %arg5: memref<2048x128xf32, #tpu.memory_space<vmem>>, %arg6: memref<1x1xf32, #tpu.memory_space<vmem>>) attributes {dimension_semantics = [], scalar_prefetch = 0 : i64, scratch_operands = 0 : i64, tpu.core_type = #tpu.core_type<tc>} {
    %get3A = arith.constant 0 : index
    %get3A_0 = arith.constant 0 : index
    %get3A_1 = vector.load %arg0[%get3A, %get3A_0] : memref<2048x768xf32, #tpu.memory_space<vmem>>, vector<2048x768xf32>
    %get3A_2 = arith.constant 0 : index
    %get3A_3 = arith.constant 0 : index
    %get3A_4 = vector.load %arg1[%get3A_2, %get3A_3] : memref<8x768xf32, #tpu.memory_space<vmem>>, vector<8x768xf32>
    %get3A_5 = arith.constant 0 : index
    %get3A_6 = arith.constant 0 : index
    %get3A_7 = vector.load %arg2[%get3A_5, %get3A_6] : memref<1x8xf32, #tpu.memory_space<vmem>>, vector<1x8xf32>
    %dot_general3A = arith.constant dense<0.000000e+00> : vector<2048x8xf32>
    %dot_general3A_8 = tpu.matmul %get3A_1, %get3A_4, %dot_general3A {dimension_numbers = #tpu.dot_dimension_numbers<[1], [1], [0], [0], [0, 0, 1, 0], [], []>, transpose_lhs_hint = false} : vector<2048x768xf32>, vector<8x768xf32>, vector<2048x8xf32> -> vector<2048x8xf32>
    %add3A = vector.broadcast %get3A_7 : vector<1x8xf32> to vector<2048x8xf32>
    %add3A_9 = arith.addf %dot_general3A_8, %add3A : vector<2048x8xf32>
    %mul3A = arith.mulf %add3A_9, %add3A_9 : vector<2048x8xf32>
    %reduce_sum3A = vector.shape_cast %mul3A : vector<2048x8xf32> to vector<1x2048x8xf32>
    %reduce_sum3A_10 = arith.constant dense<0.000000e+00> : vector<1xf32>
    %reduce_sum3A_11 = vector.multi_reduction <add>, %reduce_sum3A, %reduce_sum3A_10 [1, 2] : vector<1x2048x8xf32> to vector<1xf32>
    %reduce_sum3A_12 = vector.shape_cast %reduce_sum3A_11 : vector<1xf32> to vector<1x1x1xf32>
    %reduce_sum3A_13 = vector.extract %reduce_sum3A_12[0, 0, 0] : f32 from vector<1x1x1xf32>
    %broadcast_in_dim3A = vector.broadcast %reduce_sum3A_13 : f32 to vector<1x1xf32>
    %mul3A_14 = arith.constant 6.10351549E-7 : f32
    %mul3A_15 = vector.broadcast %mul3A_14 : f32 to vector<1x1xf32>
    %mul3A_16 = arith.mulf %mul3A_15, %broadcast_in_dim3A : vector<1x1xf32>
    %swap3A = arith.constant 0 : index
    %swap3A_17 = arith.constant 0 : index
    %swap3A_18 = vector.load %arg6[%swap3A, %swap3A_17] : memref<1x1xf32, #tpu.memory_space<vmem>>, vector<1x1xf32>
    tpu.vector_store %arg6[%swap3A, %swap3A_17], %mul3A_16 {strides = array<i32>} : memref<1x1xf32, #tpu.memory_space<vmem>>, vector<1x1xf32>,
    %logistic3A = arith.negf %add3A_9 : vector<2048x8xf32>
    %logistic3A_19 = math.exp %logistic3A : vector<2048x8xf32>
    %logistic3A_20 = arith.constant 1.000000e+00 : f32
    %logistic3A_21 = vector.broadcast %logistic3A_20 : f32 to vector<2048x8xf32>
    %logistic3A_22 = arith.addf %logistic3A_21, %logistic3A_19 : vector<2048x8xf32>
    %logistic3A_23 = arith.divf %logistic3A_21, %logistic3A_22 : vector<2048x8xf32>
    %reduce_max3A = arith.constant dense<0xFF800000> : vector<2048xf32>
    %reduce_max3A_24 = vector.multi_reduction <maximumf>, %logistic3A_23, %reduce_max3A [1] : vector<2048x8xf32> to vector<2048xf32>
    %broadcast_in_dim3A_25 = vector.shape_cast %reduce_max3A_24 : vector<2048xf32> to vector<2048x1xf32>
    %iota3A = tpu.iota {dimensions = array<i32: 1>} : vector<2048x8xi32>
    %eq3A = vector.broadcast %broadcast_in_dim3A_25 : vector<2048x1xf32> to vector<2048x8xf32>
    %eq3A_26 = arith.cmpf oeq, %logistic3A_23, %eq3A : vector<2048x8xf32>
    %jit3A = arith.constant 8 : i32
    %broadcast_in_dim3A_27 = vector.broadcast %jit3A : i32 to vector<2048x8xi32>
    %select_n3A = arith.select %eq3A_26, %iota3A, %broadcast_in_dim3A_27 : vector<2048x8xi1>, vector<2048x8xi32>
    %reduce_min3A = arith.constant dense<2147483647> : vector<2048xi32>
    %reduce_min3A_28 = vector.multi_reduction <minsi>, %select_n3A, %reduce_min3A [1] : vector<2048x8xi32> to vector<2048xi32>
    %broadcast_in_dim3A_29 = vector.shape_cast %reduce_min3A_28 : vector<2048xi32> to vector<2048x1xi32>
    %add3A_30 = arith.constant 9.99999997E-7 : f32
    %add3A_31 = vector.broadcast %add3A_30 : f32 to vector<2048x1xf32>
    %add3A_32 = arith.addf %broadcast_in_dim3A_25, %add3A_31 : vector<2048x1xf32>
    %div3A = arith.divf %broadcast_in_dim3A_25, %add3A_32 : vector<2048x1xf32>
    %broadcast_in_dim3A_33 = vector.shape_cast %div3A : vector<2048x1xf32> to vector<2048x1xf32>
    %broadcast_in_dim3A_34 = vector.broadcast %broadcast_in_dim3A_33 : vector<2048x1xf32> to vector<2048x128xf32>
    %swap3A_35 = arith.constant 0 : index
    %swap3A_36 = arith.constant 0 : index
    %swap3A_37 = vector.load %arg5[%swap3A_35, %swap3A_36] : memref<2048x128xf32, #tpu.memory_space<vmem>>, vector<2048x128xf32>
    tpu.vector_store %arg5[%swap3A_35, %swap3A_36], %broadcast_in_dim3A_34 {strides = array<i32>} : memref<2048x128xf32, #tpu.memory_space<vmem>>, vector<2048x128xf32>,
    %eq3A_38 = vector.broadcast %broadcast_in_dim3A_29 : vector<2048x1xi32> to vector<2048x8xi32>
    %eq3A_39 = arith.cmpi eq, %iota3A, %eq3A_38 : vector<2048x8xi32>
    %convert_element_type3A = arith.extui %eq3A_39 : vector<2048x8xi1> to vector<2048x8xi32>
    %convert_element_type3A_40 = arith.sitofp %convert_element_type3A : vector<2048x8xi32> to vector<2048x8xf32>
    %broadcast_in_dim3A_41 = arith.constant 0.000000e+00 : f32
    %broadcast_in_dim3A_42 = vector.broadcast %broadcast_in_dim3A_41 : f32 to vector<1x8xf32>
    %slice3A = vector.extract_strided_slice %convert_element_type3A_40 {offsets = [0, 0], sizes = [2047, 8], strides = [1, 1]} : vector<2048x8xf32> to vector<2047x8xf32>
    %concatenate3A = tpu.concatenate %broadcast_in_dim3A_42, %slice3A in 0 : vector<1x8xf32>, vector<2047x8xf32> -> vector<2048x8xf32>
    %add3A_43 = arith.addf %convert_element_type3A_40, %concatenate3A : vector<2048x8xf32>
    %broadcast_in_dim3A_44 = arith.constant 0.000000e+00 : f32
    %broadcast_in_dim3A_45 = vector.broadcast %broadcast_in_dim3A_44 : f32 to vector<2x8xf32>
    %slice3A_46 = vector.extract_strided_slice %add3A_43 {offsets = [0, 0], sizes = [2046, 8], strides = [1, 1]} : vector<2048x8xf32> to vector<2046x8xf32>
    %concatenate3A_47 = tpu.concatenate %broadcast_in_dim3A_45, %slice3A_46 in 0 : vector<2x8xf32>, vector<2046x8xf32> -> vector<2048x8xf32>
    %add3A_48 = arith.addf %add3A_43, %concatenate3A_47 : vector<2048x8xf32>
    %broadcast_in_dim3A_49 = arith.constant 0.000000e+00 : f32
    %broadcast_in_dim3A_50 = vector.broadcast %broadcast_in_dim3A_49 : f32 to vector<4x8xf32>
    %slice3A_51 = vector.extract_strided_slice %add3A_48 {offsets = [0, 0], sizes = [2044, 8], strides = [1, 1]} : vector<2048x8xf32> to vector<2044x8xf32>
    %concatenate3A_52 = tpu.concatenate %broadcast_in_dim3A_50, %slice3A_51 in 0 : vector<4x8xf32>, vector<2044x8xf32> -> vector<2048x8xf32>
    %add3A_53 = arith.addf %add3A_48, %concatenate3A_52 : vector<2048x8xf32>
    %broadcast_in_dim3A_54 = arith.constant 0.000000e+00 : f32
    %broadcast_in_dim3A_55 = vector.broadcast %broadcast_in_dim3A_54 : f32 to vector<8x8xf32>
    %slice3A_56 = vector.extract_strided_slice %add3A_53 {offsets = [0, 0], sizes = [2040, 8], strides = [1, 1]} : vector<2048x8xf32> to vector<2040x8xf32>
    %concatenate3A_57 = tpu.concatenate %broadcast_in_dim3A_55, %slice3A_56 in 0 : vector<8x8xf32>, vector<2040x8xf32> -> vector<2048x8xf32>
    %add3A_58 = arith.addf %add3A_53, %concatenate3A_57 : vector<2048x8xf32>
    %broadcast_in_dim3A_59 = arith.constant 0.000000e+00 : f32
    %broadcast_in_dim3A_60 = vector.broadcast %broadcast_in_dim3A_59 : f32 to vector<16x8xf32>
    %slice3A_61 = vector.extract_strided_slice %add3A_58 {offsets = [0, 0], sizes = [2032, 8], strides = [1, 1]} : vector<2048x8xf32> to vector<2032x8xf32>
    %concatenate3A_62 = tpu.concatenate %broadcast_in_dim3A_60, %slice3A_61 in 0 : vector<16x8xf32>, vector<2032x8xf32> -> vector<2048x8xf32>
    %add3A_63 = arith.addf %add3A_58, %concatenate3A_62 : vector<2048x8xf32>
    %broadcast_in_dim3A_64 = arith.constant 0.000000e+00 : f32
    %broadcast_in_dim3A_65 = vector.broadcast %broadcast_in_dim3A_64 : f32 to vector<32x8xf32>
    %slice3A_66 = vector.extract_strided_slice %add3A_63 {offsets = [0, 0], sizes = [2016, 8], strides = [1, 1]} : vector<2048x8xf32> to vector<2016x8xf32>
    %concatenate3A_67 = tpu.concatenate %broadcast_in_dim3A_65, %slice3A_66 in 0 : vector<32x8xf32>, vector<2016x8xf32> -> vector<2048x8xf32>
    %add3A_68 = arith.addf %add3A_63, %concatenate3A_67 : vector<2048x8xf32>
    %broadcast_in_dim3A_69 = arith.constant 0.000000e+00 : f32
    %broadcast_in_dim3A_70 = vector.broadcast %broadcast_in_dim3A_69 : f32 to vector<64x8xf32>
    %slice3A_71 = vector.extract_strided_slice %add3A_68 {offsets = [0, 0], sizes = [1984, 8], strides = [1, 1]} : vector<2048x8xf32> to vector<1984x8xf32>
    %concatenate3A_72 = tpu.concatenate %broadcast_in_dim3A_70, %slice3A_71 in 0 : vector<64x8xf32>, vector<1984x8xf32> -> vector<2048x8xf32>
    %add3A_73 = arith.addf %add3A_68, %concatenate3A_72 : vector<2048x8xf32>
    %broadcast_in_dim3A_74 = arith.constant 0.000000e+00 : f32
    %broadcast_in_dim3A_75 = vector.broadcast %broadcast_in_dim3A_74 : f32 to vector<128x8xf32>
    %slice3A_76 = vector.extract_strided_slice %add3A_73 {offsets = [0, 0], sizes = [1920, 8], strides = [1, 1]} : vector<2048x8xf32> to vector<1920x8xf32>
    %concatenate3A_77 = tpu.concatenate %broadcast_in_dim3A_75, %slice3A_76 in 0 : vector<128x8xf32>, vector<1920x8xf32> -> vector<2048x8xf32>
    %add3A_78 = arith.addf %add3A_73, %concatenate3A_77 : vector<2048x8xf32>
    %broadcast_in_dim3A_79 = arith.constant 0.000000e+00 : f32
    %broadcast_in_dim3A_80 = vector.broadcast %broadcast_in_dim3A_79 : f32 to vector<256x8xf32>
    %slice3A_81 = vector.extract_strided_slice %add3A_78 {offsets = [0, 0], sizes = [1792, 8], strides = [1, 1]} : vector<2048x8xf32> to vector<1792x8xf32>
    %concatenate3A_82 = tpu.concatenate %broadcast_in_dim3A_80, %slice3A_81 in 0 : vector<256x8xf32>, vector<1792x8xf32> -> vector<2048x8xf32>
    %add3A_83 = arith.addf %add3A_78, %concatenate3A_82 : vector<2048x8xf32>
    %broadcast_in_dim3A_84 = arith.constant 0.000000e+00 : f32
    %broadcast_in_dim3A_85 = vector.broadcast %broadcast_in_dim3A_84 : f32 to vector<512x8xf32>
    %slice3A_86 = vector.extract_strided_slice %add3A_83 {offsets = [0, 0], sizes = [1536, 8], strides = [1, 1]} : vector<2048x8xf32> to vector<1536x8xf32>
    %concatenate3A_87 = tpu.concatenate %broadcast_in_dim3A_85, %slice3A_86 in 0 : vector<512x8xf32>, vector<1536x8xf32> -> vector<2048x8xf32>
    %add3A_88 = arith.addf %add3A_83, %concatenate3A_87 : vector<2048x8xf32>
    %broadcast_in_dim3A_89 = arith.constant 0.000000e+00 : f32
    %broadcast_in_dim3A_90 = vector.broadcast %broadcast_in_dim3A_89 : f32 to vector<1024x8xf32>
    %slice3A_91 = vector.extract_strided_slice %add3A_88 {offsets = [0, 0], sizes = [1024, 8], strides = [1, 1]} : vector<2048x8xf32> to vector<1024x8xf32>
    %concatenate3A_92 = tpu.concatenate %broadcast_in_dim3A_90, %slice3A_91 in 0 : vector<1024x8xf32>, vector<1024x8xf32> -> vector<2048x8xf32>
    %add3A_93 = arith.addf %add3A_88, %concatenate3A_92 : vector<2048x8xf32>
    %sub3A = arith.subf %add3A_93, %convert_element_type3A_40 : vector<2048x8xf32>
    %slice3A_94 = vector.extract_strided_slice %add3A_93 {offsets = [2047, 0], sizes = [1, 8], strides = [1, 1]} : vector<2048x8xf32> to vector<1x8xf32>
    %add3A_95 = arith.constant 2.550000e+02 : f32
    %add3A_96 = vector.broadcast %add3A_95 : f32 to vector<1x8xf32>
    %add3A_97 = arith.addf %slice3A_94, %add3A_96 : vector<1x8xf32>
    %mul3A_98 = arith.constant 3.906250e-03 : f32
    %mul3A_99 = vector.broadcast %mul3A_98 : f32 to vector<1x8xf32>
    %mul3A_100 = arith.mulf %add3A_97, %mul3A_99 : vector<1x8xf32>
    %floor3A = math.floor %mul3A_100 : vector<1x8xf32>
    %mul3A_101 = arith.constant 2.560000e+02 : f32
    %mul3A_102 = vector.broadcast %mul3A_101 : f32 to vector<1x8xf32>
    %mul3A_103 = arith.mulf %floor3A, %mul3A_102 : vector<1x8xf32>
    %broadcast_in_dim3A_104 = arith.constant 0.000000e+00 : f32
    %broadcast_in_dim3A_105 = vector.broadcast %broadcast_in_dim3A_104 : f32 to vector<1x1xf32>
    %slice3A_106 = vector.extract_strided_slice %mul3A_103 {offsets = [0, 0], sizes = [1, 7], strides = [1, 1]} : vector<1x8xf32> to vector<1x7xf32>
    %concatenate3A_107 = tpu.concatenate %broadcast_in_dim3A_105, %slice3A_106 in 1 : vector<1x1xf32>, vector<1x7xf32> -> vector<1x8xf32>
    %add3A_108 = arith.addf %mul3A_103, %concatenate3A_107 : vector<1x8xf32>
    %broadcast_in_dim3A_109 = arith.constant 0.000000e+00 : f32
    %broadcast_in_dim3A_110 = vector.broadcast %broadcast_in_dim3A_109 : f32 to vector<1x2xf32>
    %slice3A_111 = vector.extract_strided_slice %add3A_108 {offsets = [0, 0], sizes = [1, 6], strides = [1, 1]} : vector<1x8xf32> to vector<1x6xf32>
    %concatenate3A_112 = tpu.concatenate %broadcast_in_dim3A_110, %slice3A_111 in 1 : vector<1x2xf32>, vector<1x6xf32> -> vector<1x8xf32>
    %add3A_113 = arith.addf %add3A_108, %concatenate3A_112 : vector<1x8xf32>
    %broadcast_in_dim3A_114 = arith.constant 0.000000e+00 : f32
    %broadcast_in_dim3A_115 = vector.broadcast %broadcast_in_dim3A_114 : f32 to vector<1x4xf32>
    %slice3A_116 = vector.extract_strided_slice %add3A_113 {offsets = [0, 0], sizes = [1, 4], strides = [1, 1]} : vector<1x8xf32> to vector<1x4xf32>
    %concatenate3A_117 = tpu.concatenate %broadcast_in_dim3A_115, %slice3A_116 in 1 : vector<1x4xf32>, vector<1x4xf32> -> vector<1x8xf32>
    %add3A_118 = arith.addf %add3A_113, %concatenate3A_117 : vector<1x8xf32>
    %sub3A_119 = arith.subf %add3A_118, %mul3A_103 : vector<1x8xf32>
    %add3A_120 = vector.broadcast %sub3A_119 : vector<1x8xf32> to vector<2048x8xf32>
    %add3A_121 = arith.addf %sub3A, %add3A_120 : vector<2048x8xf32>
    %mul3A_122 = arith.mulf %convert_element_type3A_40, %add3A_121 : vector<2048x8xf32>
    %reduce_sum3A_123 = arith.constant dense<0.000000e+00> : vector<2048xf32>
    %reduce_sum3A_124 = vector.multi_reduction <add>, %mul3A_122, %reduce_sum3A_123 [1] : vector<2048x8xf32> to vector<2048xf32>
    %broadcast_in_dim3A_125 = vector.shape_cast %reduce_sum3A_124 : vector<2048xf32> to vector<2048x1xf32>
    %convert_element_type3A_126 = arith.fptosi %broadcast_in_dim3A_125 : vector<2048x1xf32> to vector<2048x1xi32>
    %swap3A_127 = arith.constant 0 : index
    %swap3A_128 = arith.constant 0 : index
    %swap3A_129 = vector.load %arg3[%swap3A_127, %swap3A_128] : memref<2048x1xi32, #tpu.memory_space<vmem>>, vector<2048x1xi32>
    tpu.vector_store %arg3[%swap3A_127, %swap3A_128], %convert_element_type3A_126 {strides = array<i32>} : memref<2048x1xi32, #tpu.memory_space<vmem>>, vector<2048x1xi32>,
    %add3A_130 = arith.addf %sub3A_119, %mul3A_103 : vector<1x8xf32>
    %iota3A_131 = tpu.iota {dimensions = array<i32: 0>} : vector<16x1xi32>
    %convert_element_type3A_132 = arith.sitofp %iota3A_131 : vector<16x1xi32> to vector<16x1xf32>
    %mul3A_133 = arith.constant 2.560000e+02 : f32
    %mul3A_134 = vector.broadcast %mul3A_133 : f32 to vector<16x1xf32>
    %mul3A_135 = arith.mulf %convert_element_type3A_132, %mul3A_134 : vector<16x1xf32>
    %ge3A = vector.broadcast %mul3A_135 : vector<16x1xf32> to vector<16x8xf32>
    %ge3A_136 = vector.broadcast %add3A_130 : vector<1x8xf32> to vector<16x8xf32>
    %ge3A_137 = arith.cmpf oge, %ge3A, %ge3A_136 : vector<16x8xf32>
    %convert_element_type3A_138 = arith.extui %ge3A_137 : vector<16x8xi1> to vector<16x8xi32>
    %convert_element_type3A_139 = arith.sitofp %convert_element_type3A_138 : vector<16x8xi32> to vector<16x8xf32>
    %reduce_sum3A_140 = arith.constant dense<0.000000e+00> : vector<16xf32>
    %reduce_sum3A_141 = vector.multi_reduction <add>, %convert_element_type3A_139, %reduce_sum3A_140 [1] : vector<16x8xf32> to vector<16xf32>
    %broadcast_in_dim3A_142 = vector.shape_cast %reduce_sum3A_141 : vector<16xf32> to vector<16x1xf32>
    %min3A = arith.constant 7.000000e+00 : f32
    %min3A_143 = vector.broadcast %min3A : f32 to vector<16x1xf32>
    %min3A_144 = arith.minimumf %broadcast_in_dim3A_142, %min3A_143 : vector<16x1xf32>
    %convert_element_type3A_145 = arith.fptosi %min3A_144 : vector<16x1xf32> to vector<16x1xi32>
    %swap3A_146 = arith.constant 0 : index
    %swap3A_147 = arith.constant 0 : index
    %swap3A_148 = vector.load %arg4[%swap3A_146, %swap3A_147] : memref<16x1xi32, #tpu.memory_space<vmem>>, vector<16x1xi32>
    tpu.vector_store %arg4[%swap3A_146, %swap3A_147], %convert_element_type3A_145 {strides = array<i32>} : memref<16x1xi32, #tpu.memory_space<vmem>>, vector<16x1xi32>,
    return
  }
}

</mosaic_0001>

<sc_bundles>
// kernel: kernel.6.cloned.1.call-start
scs
__scs_entry_jumppad:
0x0: {  	(pc) =	sbr.rel $0x88, $3  }
0x1: {  	(tag) =	ssettag $0x0;
	lr =	simm.s32 $0x1  }
0x2: {  	[smem:$0x3F9C] =	sst lr;
	_ =	strace $0xD0000000  }
0x3: {  	_ = 	snop  }
0x4: {  	_ = 	snop  }
0x5: {  	_ = 	snop  }
0x6: {  	_ = 	snop  }
0x7: {  	_ = 	snop  }
__scs_overlays_trampoline_lowered:
0x8: {  	[smem:$0x3FAB] =	sst s0  }
0x9: {  	[smem:$0x3FAC] =	sst s1  }
0xa: {  	[smem:$0x3FAD] =	sst s2  }
0xb: {  	[smem:$0x3FAE] =	sst s3  }
0xc: {  	[smem:$0x3FAF] =	sst s4  }
0xd: {  	[smem:$0x3FB0] =	sst s5  }
0xe: {  	[smem:$0x3FB1] =	sst s6  }
0xf: {  	[smem:$0x3FB2] =	sst s7  }
0x10: {  	[smem:$0x3FB3] =	sst s8  }
0x11: {  	[smem:$0x3FB4] =	sst s9;
	s0 =	simm.s32 @!p0 $0x0  }
0x12: {  	s1 =	sld [smem:$0x3F9A];
	s0 =	simm.s32 @p0 $0x1  }
0x13: {  	[smem:$0x3FB5] =	sst s0;
	s0 =	simm.s32 @!p1 $0x0  }
0x14: {  	s2 =	sld [smem:$0x3F99];
	s0 =	simm.s32 @p1 $0x1  }
0x15: {  	[smem:$0x3FB6] =	sst s0;
	s0 =	simm.s32 @!p2 $0x0  }
0x16: {  	s3 =	sld [smem:$0x3FDB];
	s0 =	simm.s32 @p2 $0x1  }
0x17: {  	s4 =	simm.s32 $0x1BF5;
	[smem:$0x3FB8] =	sst s0  }
0x18: {  	s0 =	sld [smem:$0x3F9B];
	_ =	swait.ge [sflag:s4], $0x0  }
0x19: {  	s7 =	sld [smem:$0x3F9C]  }
0x1a: {  	s8 =	sadd.s32 $0xFFFFE003, lr  }
0x1b: {  	s9 =	sadd.s32 $0xFFFFFEF7, lr;
	s5 =	simm.s32 $0xFFFFFFFF;
	p2 =	slt.u32 s8, $0xFFFFF086  }
0x1c: {  	p1 =	slt.u32 s9, $0xF7A;
	s5 =	simm.s32 @!p2 $0x0  }
0x1d: {  	s5 =	simm.s32 @p1 $0x1;
	p0 =	seq.s32 s7, s2  }
0x1e: {  	s7 =	smul.u32 @!p0 $0xF7A, s2;
	p2 =	seq.s32 @!p0 s5, $0x0  }
0x1f: {  	s9 =	smul.u32 $0xF7A, s1;
	s8 =	simm.s32 @!p0 $0x1BF5;
	p2 =	por !p2, p0  }
0x20: {  	[sflag:s8] =	ssyncset.s32 @!p0 $0xFFFFF086;
	s6 =	sadd.s32 @!p0 s3, s7;
	s7 =	simm.s32 @!p0 $0x108  }
0x21: {  	s3 =	sadd.s32 s3, s9;
	s6 =	sadd.s32 @!p0 $0x88, s6;
	s7 =	simm.s32 @p2 $0x1082  }
0x22: {  	[simem:s7], [sflag:s8] =	dma.local @!p0 [hbm:s6], $0xF7A  }
0x23: {  	s9 =	sor.u32 $0xD0000000, s2;
	s6 =	simm.s32 $0x108;
	_ =	swait.ge @!p0 [sflag:s8], $0x0  }
0x24: {  	s3 =	sadd.s32 $0x88, s3;
	s6 =	simm.s32 @!p1 $0x1082;
	[sflag:s4] =	ssyncset.s32 $0xFFFFF086  }
0x25: {  	[simem:s6], [sflag:s4] =	dma.local [hbm:s3], $0xF7A  }
0x26: {  	[smem:$0x3F9C] =	sst s1;
	(tag) =	ssettag s2;
	_ =	strace s9  }
0x27: {  	s1 =	sld [smem:$0x3FAC]  }
0x28: {  	s2 =	sld [smem:$0x3FAD]  }
0x29: {  	s4 =	sld [smem:$0x3FAF]  }
0x2a: {  	p0 =	seq.s32 s5, $0x0;
	s5 =	sld [smem:$0x3FB0]  }
0x2b: {  	s6 =	sld [smem:$0x3FB1]  }
0x2c: {  	s7 =	sld [smem:$0x3FB2]  }
0x2d: {  	s3 =	simm.s32 $0x108;
	s8 =	sld [smem:$0x3FB3]  }
0x2e: {  	s3 =	simm.s32 @!p0 $0x1082;
	s9 =	sld [smem:$0x3FB4]  }
0x2f: {  	lr =	sadd.s32 s0, s3;
	s0 =	sld [smem:$0x3FAB]  }
0x30: {  	s3 =	sld [smem:$0x3FAE]  }
0x31: {  	[smem:$0x3FB7] =	sst s10  }
0x32: {  	s10 =	sld [smem:$0x3FB5];
	_ =	sdelay $0x3  }
0x33: {  	p0 =	seq.s32 s10, $0x1;
	s10 =	sld [smem:$0x3FB7];
	_ =	sdelay $0x3  }
0x34: {  	[smem:$0x3FB7] =	sst s10  }
0x35: {  	s10 =	sld [smem:$0x3FB6];
	_ =	sdelay $0x3  }
0x36: {  	p1 =	seq.s32 s10, $0x1;
	s10 =	sld [smem:$0x3FB7];
	_ =	sdelay $0x3  }
0x37: {  	[smem:$0x3FB7] =	sst s10  }
0x38: {  	s10 =	sld [smem:$0x3FB8]  }
0x39: {  	_ = 	snop;
	(pc) =	sbr.ind lr, $3  }
0x3a: {  	_ = 	snop  }
0x3b: {  	_ = 	snop  }
0x3c: {  	p2 =	seq.s32 s10, $0x1;
	s10 =	sld [smem:$0x3FB7]  }
0x3d: {  	_ =	shalt  }
0x3e: {  	_ =	shalt  }
0x3f: {  	_ =	shalt  }
0x40: {  	_ =	shalt  }
0x41: {  	_ =	shalt  }
0x42: {  	_ =	shalt  }
0x43: {  	_ =	shalt  }
0x44: {  	_ =	shalt  }
0x45: {  	_ =	shalt  }
0x46: {  	_ =	shalt  }
0x47: {  	_ =	shalt  }
0x48: {  	_ =	shalt  }
0x49: {  	_ =	shalt  }
0x4a: {  	_ =	shalt  }
0x4b: {  	_ =	shalt  }
0x4c: {  	_ =	shalt  }
0x4d: {  	_ =	shalt  }
0x4e: {  	_ =	shalt  }
0x4f: {  	_ =	shalt  }
0x50: {  	_ =	shalt  }
0x51: {  	_ =	shalt  }
0x52: {  	_ =	shalt  }
0x53: {  	_ =	shalt  }
0x54: {  	_ =	shalt  }
0x55: {  	_ =	shalt  }
0x56: {  	_ =	shalt  }
0x57: {  	_ =	shalt  }
0x58: {  	_ =	shalt  }
0x59: {  	_ =	shalt  }
0x5a: {  	_ =	shalt  }
0x5b: {  	_ =	shalt  }
0x5c: {  	_ =	shalt  }
0x5d: {  	_ =	shalt  }
0x5e: {  	_ =	shalt  }
0x5f: {  	_ =	shalt  }
0x60: {  	_ =	shalt  }
0x61: {  	_ =	shalt  }
0x62: {  	_ =	shalt  }
0x63: {  	_ =	shalt  }
0x64: {  	_ =	shalt  }
0x65: {  	_ =	shalt  }
0x66: {  	_ =	shalt  }
0x67: {  	_ =	shalt  }
0x68: {  	_ =	shalt  }
0x69: {  	_ =	shalt  }
0x6a: {  	_ =	shalt  }
0x6b: {  	_ =	shalt  }
0x6c: {  	_ =	shalt  }
0x6d: {  	_ =	shalt  }
0x6e: {  	_ =	shalt  }
0x6f: {  	_ =	shalt  }
0x70: {  	_ =	shalt  }
0x71: {  	_ =	shalt  }
0x72: {  	_ =	shalt  }
0x73: {  	_ =	shalt  }
0x74: {  	_ =	shalt  }
0x75: {  	_ =	shalt  }
0x76: {  	_ =	shalt  }
0x77: {  	_ =	shalt  }
0x78: {  	_ =	shalt  }
0x79: {  	_ =	shalt  }
0x7a: {  	_ =	shalt  }
0x7b: {  	_ =	shalt  }
0x7c: {  	_ =	shalt  }
0x7d: {  	_ =	shalt  }
0x7e: {  	_ =	shalt  }
0x7f: {  	_ =	shalt  }
0x80: {  	_ =	shalt  }
0x81: {  	_ =	shalt  }
0x82: {  	_ =	shalt  }
0x83: {  	_ =	shalt  }
0x84: {  	_ =	shalt  }
0x85: {  	_ =	shalt  }
0x86: {  	_ =	shalt  }
0x87: {  	_ =	shalt  }
.Lfunc_end0:
.L_simem_size_0:
called_computation_lowered:
.L_overlay_start_0:
0x88: {  	s2 =	sld [smem:$0x3FD9]  }
0x89: {  	s3 =	sld [smem:$0x3FFE];
	_ =	sdelay $0x1  }
0x8a: {  	s1 =	srdreg.scid  }
0x8b: {  	s0 =	sand.u32 $0x1, s1  }
0x8c: {  	s14 =	sshll.u32 s0, $0xA;
	s2 =	sadd.s32 s3, s2  }
0x8d: {  	s2 =	sadd.s32 s2, s14  }
0x8e: {  	[smem:$0x3FC3] =	sst s2  }
0x8f: {  	_ = 	snop  }
0x90: {  	s2 =	sld [smem:$0x3FD0];
	_ =	sdelay $0x2  }
0x91: {  	s4 =	simm.s32 $0xA;
	s5 =	simm.s32 $0x10;
	s15 =	sld [smem:$0x3FC9]  }
0x92: {  	[smem:s5], [sflag:s4] =	dma.local [hbm:s2], $0x1  }
0x93: {  	_ =	swait.eq [sflag:s4], $0x1  }
0x94: {  	[sflag:s4] =	ssyncset.done $0x0  }
0x95: {  	[sflag:s4] =	ssyncadd.s32 $0xFFFFFFFF  }
0x96: {  	s16 =	sld [smem:$0x10];
	(tm) =	ssettm $0x1  }
0x97: {  	s17 =	sld [smem:$0x3FFB];
	_ =	sdelay $0x3  }
0x98: {  	_ =	strace s17  }
0x99: {  	s4 =	sld [smem:$0x3FFC];
	_ =	sdelay $0x3  }
0x9a: {  	_ =	strace s4  }
0x9b: {  	s4 =	sld [smem:$0x3FFD];
	_ =	sdelay $0x3  }
0x9c: {  	_ =	strace s4  }
0x9d: {  	_ =	strace $0x8FFFFFFF  }
0x9e: {  	s18 =	sld [smem:$0x3FDB];
	_ =	sdelay $0x1  }
0x9f: {  	s19 =	simm.s32 $_scs_section_size  }
0xa0: {  	s6 =	simm.s32 $_size__tile_overlayer_lowered;
	s7 =	simm.s32 $_tile_overlayer_lowered  }
0xa1: {  	s22 =	simm.s32 $0x1BFF;
	s21 =	sshll.u32 s7, $0x1;
	s4 =	sadd.s32 s19, s18  }
0xa2: {  	s8 =	simm.s32 $0x0;
	s20 =	sshll.u32 s6, $0x1;
	s6 =	sadd.s32 s21, s4  }
0xa3: {  	[timem:s8], [sflag:s22] =	dma.local [hbm:s6], s20  }
0xa4: {  	_ =	swait.ge [sflag:s22], s20  }
0xa5: {  	s5 =	ssub.s32 $0x0, s20;
	[sflag:s22] =	ssyncset.done $0x0  }
0xa6: {  	[sflag:s22] =	ssyncadd.s32 s5;
	_ =	sdelay $0x1  }
0xa7: {  	s23 =	simm.s32 $0x1B8B  }
0xa8: {  	_ =	swait.ge [sflag:s23], $0x1  }
0xa9: {  	[sflag:s23] =	ssyncset.done $0x0  }
0xaa: {  	s25 =	simm.s32 $0x1B8E;
	s24 =	sld [smem:$0x3FFE];
	[sflag:s23] =	ssyncadd.s32 $0xFFFFFFFF  }
0xab: {  	s26 =	simm.s32 $execute0_lowered;
	[smem:$0x3FD2] =	sst s25  }
0xac: {  	s6 =	sshll.u32 s26, $0x1;
	_ =	strace $0x80000046;
	[dreg:$0x1] =	wrdreg $0xFFFFFFFF  }
0xad: {  	s28 =	simm.s32 $_size_execute0_lowered;
	s4 =	sadd.s32 s4, s6;
	[dreg:$0x0] =	wrdreg $0x0  }
0xae: {  	s6 =	sshll.u32 s28, $0x1;
	[dreg:$0x2] =	wrdreg s4  }
0xaf: {  	[dreg:$0x3] =	wrdreg s6  }
0xb0: {  	[dreg:$0x4] =	wrdreg $0xC0  }
0xb1: {  	_ =	task [dreg:s8], $0x5FFFF  }
0xb2: {  	[dreg:$0x1] =	wrdreg $0xFFFFFFFF  }
0xb3: {  	[dreg:$0x0] =	wrdreg $0x60  }
0xb4: {  	[dreg:$0x2] =	wrdreg s15  }
0xb5: {  	[dreg:$0x3] =	wrdreg s24  }
0xb6: {  	[dreg:$0x4] =	wrdreg s16  }
0xb7: {  	[dreg:$0x5] =	wrdreg $0x9  }
0xb8: {  	_ =	task.clear_ibuf [dreg:s8], $0x6FFFF;
	_ =	strace $0x90000046  }
0xb9: {  	s29 =	simm.s32 $0x9;
	_ =	strace $0x80000048  }
0xba: {  	_ =	swait.ge [sflag:s29], $0x1  }
0xbb: {  	[sflag:s29] =	ssyncadd.s32 $0xFFFFFFFF  }
0xbc: {  	_ =	strace $0x90000048  }
0xbd: {  	_ =	sfence  }
0xbe: {  	s30 =	sld [smem:$0x0];
	_ =	sdelay $0x2  }
0xbf: {  	s31 =	sshll.u32 s1, $0xD;
	s1 =	sshrl.u32 s1, $0x2  }
0xc0: {  	s3 =	sand.u32 $0x4000, s31;
	s1 =	sadd.s32 s1, s30  }
0xc1: {  	s0 =	sor.u32 s3, s0;
	s1 =	sshll.u32 s1, $0x11  }
0xc2: {  	s0 =	sor.u32 s1, s0  }
0xc3: {  	s0 =	sadd.s32 $0x8F2B, s0  }
0xc4: {  	[sflag:s0] =	ssyncadd.remote.s32 $0x1  }
0xc5: {  	_ =	sfence.sel $0xFFFF  }
0xc6: {  	[dreg:$0x0] =	wrdreg $0xFFFFFFFF;
	(pc) =	sbr.abs _section_cstart, $3  }
0xc7: {  	[dreg:$0x1] =	wrdreg $0xFFFFFFFF  }
0xc8: {  	_ =	task.clear_ibuf [dreg:s8], $0x2FFFF;
	_ =	strace $0x9FFFFFFF  }
0xc9: {  	(tm) =	ssettm $0x7FFFFFFF  }
tec
execute0_lowered:
.L_overlay_start_1:
0x0: {  	(tag) =	ssettag $0x1  }
0x1: {  	s1 =	rddreg [dreg:$0x0]  }
0x2: {  	s5 =	rddreg [dreg:$0x1];
	s2 =	srdreg.scid  }
0x3: {  	s3 =	rddreg [dreg:$0x2];
	s0 =	stileid.u32;
	s23 =	simm.s32 $0x880  }
0x4: {  	s24 =	simm.s32 $0x1080;
	s25 =	simm.s32 $0x1880;
	s8 =	simm.s32 $0xC080  }
0x5: {  	s26 =	simm.s32 $0x2080;
	s9 =	simm.s32 $0x3;
	s10 =	simm.s32 $0x1  }
0x6: {  	s12 =	simm.s32 $0x3080;
	s13 =	simm.s32 $0x3880;
	s14 =	simm.s32 $0x4080  }
0x7: {  	s15 =	simm.s32 $0x4880;
	s16 =	simm.s32 $0x5080;
	s17 =	simm.s32 $0x5880  }
0x8: {  	s18 =	simm.s32 $0x6080;
	s19 =	simm.s32 $0x6880;
	s28 =	simm.s32 $0xA880  }
0x9: {  	s4 =	sand.u32 $0x1, s2;
	[dreg:$0x4] =	wrdreg s3;
	s2 =	simm.s32 $0x0  }
0xa: {  	s29 =	simm.s32 $0xB080;
	s30 =	simm.s32 $0xB880;
	[smem:$0x7FF] =	sst s2  }
0xb: {  	s31 =	simm.s32 $0x2;
	_ =	strace $0x80000047;
	[dreg:$0x8] =	wrdreg s23  }
0xc: {  	s20 =	sshll.u32 s0, $0x7;
	s6 =	sshll.u32 s4, $0x6;
	[dreg:$0x9] =	wrdreg s24  }
0xd: {  	s4 =	ssub.s32 $0x2, s4;
	s3 =	sor.u32 s6, s20;
	[dreg:$0xa] =	wrdreg s25  }
0xe: {  	s21 =	sshrl.u32 s4, $0x1;
	[dreg:$0xb] =	wrdreg s26;
	s20 =	simm.s32 $0x7080  }
0xf: {  	s23 =	simm.s32 $0x8880;
	s24 =	simm.s32 $0x9080;
	s25 =	simm.s32 $0x9880  }
0x10: {  	s26 =	simm.s32 $0xA080;
	s6 =	sshrl.u32 s3, $0x3;
	s3 =	sshll.u32 s3, $0x4  }
0x11: {  	s7 =	sadd.s32 s6, s5;
	s6 =	smul.u32 $0x300, s6;
	s3 =	sadd.s32 s3, s5  }
0x12: {  	s7 =	sadd.s32 $0x9000, s7;
	s22 =	sadd.s32 $0x1000, s3;
	s3 =	sadd.s32 $0x9200, s5  }
0x13: {  	[dreg:$0x5] =	wrdreg s7;
	s1 =	sadd.s32 s1, s6;
	s6 =	ssub.s32 s4, s21  }
0x14: {  	v2 =	vlaneseq.u32;
	[dreg:$0x7] =	wrdreg s22;
	s4 =	sadd.s32 $0x9300, s5;
	s5 =	sadd.s32 $0x9400, s5  }
0x15: {  	vm0 =	vmmov $0xffff;
	v1 =	vshrl.u32 v2, $0x3;
	s7 =	simm.s32 $0x80;
	s21 =	simm.s32 $0x7880;
	s22 =	simm.s32 $0x8080  }
0x16: {  	v0 =	vand.u32 $0x7, v2;
	v2 =	vor.u32 $0x8, v2;
	v1 =	vmul.u32 $0x8, v1;
	[dreg:$0x6] =	wrdreg s1;
	s6 =	smax.u32 s6, $0x1;
	s1 =	simm.s32 $0x40  }
.LBB2_1:
0x17: {  	s0 =	rddreg [dreg:$0x5]  }
0x18: {  	[tilespmem:s2], [sflag:$0x3] =	stream.linear.gather [hbm4b:s0+s2], $0x40, $0x38;
	[tilespmem:$0xE080] =	vst v63  }
0x19: {  	s11 =	rddreg [dreg:$0x6]  }
0x1a: {  	[tilespmem:s7], [sflag:$0x1] =	stream.linear.gather [hbm4b:s11+s2], $0xC000, $0x38;
	[tilespmem:$0xE080] =	vst v63  }
0x1b: {  	s0 =	rddreg [dreg:$0x7]  }
0x1c: {  	[tilespmem:s8], [sflag:$0x2] =	stream.linear.gather [hbm4b:s0+s2], $0x2000, $0x38;
	[tilespmem:$0xE080] =	vst v63  }
0x1d: {  	_ =	swait.ge [sflag:s9], $0x40  }
0x1e: {  	[sflag:s9] =	ssyncset.done $0x0  }
0x1f: {  	[sflag:s9] =	ssyncadd.s32 $0xFFFFFFC0  }
0x20: {  	_ =	swait.ge [sflag:s10], $0xC000  }
0x21: {  	[sflag:s10] =	ssyncset.done $0x0  }
0x22: {  	[sflag:s10] =	ssyncadd.s32 $0xFFFF4000  }
0x23: {  	v3 =	vld [tilespmem:$0x0];
	_ =	sdelay $0x4  }
0x24: {  	v4 =	vshrl.u32 v3, $0x3  }
0x25: {  	v4 =	vmul.u32 $0x30, v4  }
0x26: {  	v3 =	vand.u32 $0x7, v3  }
0x27: {  	v3 =	vor.u32 v3, v4  }
0x28: {  	v4 =	vperm.xlane v3, v0;
	_ =	sdelay $0x1  }
0x29: {  	v4 =	vadd.s32 v1, v4;
	_ =	sdelay $0x3  }
0x2a: {  	v3 =	vperm.xlane v3, v2  }
0x2b: {  	[hbm4b:s3+s2] =	stream.indirect_vreg.scatter [tilespmem:s7], [sflag:$0x1], $0x80, v4, vm0, $0xb8;
	[tilespmem:$0xE080] =	vst v63  }
0x2c: {  	s0 =	rddreg [dreg:$0x8];
	v3 =	vadd.s32 v1, v3  }
0x2d: {  	[hbm4b:s4+s2] =	stream.indirect_vreg.scatter [tilespmem:s0], [sflag:$0x1], $0x80, v4, vm0, $0xb8;
	[tilespmem:$0xE080] =	vst v63  }
0x2e: {  	s11 =	rddreg [dreg:$0x9]  }
0x2f: {  	[hbm4b:s5+s2] =	stream.indirect_vreg.scatter [tilespmem:s11], [sflag:$0x1], $0x80, v4, vm0, $0xb8;
	[tilespmem:$0xE080] =	vst v63  }
0x30: {  	s0 =	rddreg [dreg:$0xa]  }
0x31: {  	[hbm4b:s3+s2] =	stream.indirect_vreg.scatter [tilespmem:s0], [sflag:$0x1], $0x80, v3, vm0, $0xb8;
	[tilespmem:$0xE080] =	vst v63  }
0x32: {  	s11 =	rddreg [dreg:$0xb]  }
0x33: {  	[hbm4b:s4+s2] =	stream.indirect_vreg.scatter [tilespmem:s11], [sflag:$0x1], $0x80, v3, vm0, $0xb8;
	[tilespmem:$0xE080] =	vst v63  }
0x34: {  	s11 =	simm.s32 $0x2880  }
0x35: {  	[hbm4b:s5+s2] =	stream.indirect_vreg.scatter [tilespmem:s11], [sflag:$0x1], $0x80, v3, vm0, $0xb8;
	[tilespmem:$0xE080] =	vst v63  }
0x36: {  	v3 =	vld [tilespmem:$0x10];
	_ =	sdelay $0x4  }
0x37: {  	v61 =	vshrl.u32 v3, $0x3  }
0x38: {  	v4 =	vmul.u32 $0x30, v61  }
0x39: {  	v3 =	vand.u32 $0x7, v3  }
0x3a: {  	v3 =	vor.u32 v3, v4  }
0x3b: {  	v4 =	vperm.xlane v3, v0;
	_ =	sdelay $0x1  }
0x3c: {  	v4 =	vadd.s32 v1, v4;
	_ =	sdelay $0x3  }
0x3d: {  	v3 =	vperm.xlane v3, v2  }
0x3e: {  	[hbm4b:s3+s2] =	stream.indirect_vreg.scatter [tilespmem:s12], [sflag:$0x1], $0x80, v4, vm0, $0xb8;
	[tilespmem:$0xE080] =	vst v63  }
0x3f: {  	v3 =	vadd.s32 v1, v3  }
0x40: {  	[hbm4b:s4+s2] =	stream.indirect_vreg.scatter [tilespmem:s13], [sflag:$0x1], $0x80, v4, vm0, $0xb8;
	[tilespmem:$0xE080] =	vst v63  }
0x41: {  	_ = 	snop  }
0x42: {  	[hbm4b:s5+s2] =	stream.indirect_vreg.scatter [tilespmem:s14], [sflag:$0x1], $0x80, v4, vm0, $0xb8;
	[tilespmem:$0xE080] =	vst v63  }
0x43: {  	_ = 	snop  }
0x44: {  	[hbm4b:s3+s2] =	stream.indirect_vreg.scatter [tilespmem:s15], [sflag:$0x1], $0x80, v3, vm0, $0xb8;
	[tilespmem:$0xE080] =	vst v63  }
0x45: {  	_ = 	snop  }
0x46: {  	[hbm4b:s4+s2] =	stream.indirect_vreg.scatter [tilespmem:s16], [sflag:$0x1], $0x80, v3, vm0, $0xb8;
	[tilespmem:$0xE080] =	vst v63  }
0x47: {  	_ = 	snop  }
0x48: {  	[hbm4b:s5+s2] =	stream.indirect_vreg.scatter [tilespmem:s17], [sflag:$0x1], $0x80, v3, vm0, $0xb8;
	[tilespmem:$0xE080] =	vst v63  }
0x49: {  	v3 =	vld [tilespmem:$0x20];
	_ =	sdelay $0x4  }
0x4a: {  	v62 =	vshrl.u32 v3, $0x3  }
0x4b: {  	v4 =	vmul.u32 $0x30, v62  }
0x4c: {  	v3 =	vand.u32 $0x7, v3  }
0x4d: {  	v3 =	vor.u32 v3, v4  }
0x4e: {  	v4 =	vperm.xlane v3, v0;
	_ =	sdelay $0x1  }
0x4f: {  	v4 =	vadd.s32 v1, v4;
	_ =	sdelay $0x3  }
0x50: {  	v3 =	vperm.xlane v3, v2  }
0x51: {  	[hbm4b:s3+s2] =	stream.indirect_vreg.scatter [tilespmem:s18], [sflag:$0x1], $0x80, v4, vm0, $0xb8;
	[tilespmem:$0xE080] =	vst v63  }
0x52: {  	v3 =	vadd.s32 v1, v3  }
0x53: {  	[hbm4b:s4+s2] =	stream.indirect_vreg.scatter [tilespmem:s19], [sflag:$0x1], $0x80, v4, vm0, $0xb8;
	[tilespmem:$0xE080] =	vst v63  }
0x54: {  	_ = 	snop  }
0x55: {  	[hbm4b:s5+s2] =	stream.indirect_vreg.scatter [tilespmem:s20], [sflag:$0x1], $0x80, v4, vm0, $0xb8;
	[tilespmem:$0xE080] =	vst v63  }
0x56: {  	_ = 	snop  }
0x57: {  	[hbm4b:s3+s2] =	stream.indirect_vreg.scatter [tilespmem:s21], [sflag:$0x1], $0x80, v3, vm0, $0xb8;
	[tilespmem:$0xE080] =	vst v63  }
0x58: {  	_ = 	snop  }
0x59: {  	[hbm4b:s4+s2] =	stream.indirect_vreg.scatter [tilespmem:s22], [sflag:$0x1], $0x80, v3, vm0, $0xb8;
	[tilespmem:$0xE080] =	vst v63  }
0x5a: {  	_ = 	snop  }
0x5b: {  	[hbm4b:s5+s2] =	stream.indirect_vreg.scatter [tilespmem:s23], [sflag:$0x1], $0x80, v3, vm0, $0xb8;
	[tilespmem:$0xE080] =	vst v63  }
0x5c: {  	v3 =	vld [tilespmem:$0x30];
	_ =	sdelay $0x4  }
0x5d: {  	v63 =	vshrl.u32 v3, $0x3  }
0x5e: {  	v4 =	vmul.u32 $0x30, v63  }
0x5f: {  	v3 =	vand.u32 $0x7, v3  }
0x60: {  	v3 =	vor.u32 v3, v4  }
0x61: {  	v4 =	vperm.xlane v3, v0;
	_ =	sdelay $0x1  }
0x62: {  	v4 =	vadd.s32 v1, v4;
	_ =	sdelay $0x3  }
0x63: {  	v3 =	vperm.xlane v3, v2  }
0x64: {  	[hbm4b:s3+s2] =	stream.indirect_vreg.scatter [tilespmem:s24], [sflag:$0x1], $0x80, v4, vm0, $0xb8;
	[tilespmem:$0xE080] =	vst v63  }
0x65: {  	v3 =	vadd.s32 v1, v3  }
0x66: {  	[hbm4b:s4+s2] =	stream.indirect_vreg.scatter [tilespmem:s25], [sflag:$0x1], $0x80, v4, vm0, $0xb8;
	[tilespmem:$0xE080] =	vst v63  }
0x67: {  	_ = 	snop  }
0x68: {  	[hbm4b:s5+s2] =	stream.indirect_vreg.scatter [tilespmem:s26], [sflag:$0x1], $0x80, v4, vm0, $0xb8;
	[tilespmem:$0xE080] =	vst v63  }
0x69: {  	_ = 	snop  }
0x6a: {  	[hbm4b:s3+s2] =	stream.indirect_vreg.scatter [tilespmem:s28], [sflag:$0x1], $0x80, v3, vm0, $0xb8;
	[tilespmem:$0xE080] =	vst v63  }
0x6b: {  	_ = 	snop  }
0x6c: {  	[hbm4b:s4+s2] =	stream.indirect_vreg.scatter [tilespmem:s29], [sflag:$0x1], $0x80, v3, vm0, $0xb8;
	[tilespmem:$0xE080] =	vst v63  }
0x6d: {  	_ = 	snop  }
0x6e: {  	[hbm4b:s5+s2] =	stream.indirect_vreg.scatter [tilespmem:s30], [sflag:$0x1], $0x80, v3, vm0, $0xb8;
	[tilespmem:$0xE080] =	vst v63  }
0x6f: {  	_ =	swait.ge [sflag:s31], $0x2000  }
0x70: {  	[sflag:s31] =	ssyncset.done $0x0  }
0x71: {  	s11 =	rddreg [dreg:$0x4];
	[sflag:s31] =	ssyncadd.s32 $0xFFFFE000  }
0x72: {  	[hbm4b:s11+s1] =	stream.indirect.scatter [tilespmem:s8], [sflag:$0x2], $0x80, s2, s1, $0xb8;
	[tilespmem:$0xE080] =	vst v63  }
0x73: {  	p0 =	sne.s32 s6, $0x1;
	_ =	swait.ge [sflag:s10], $0xC000  }
.Ltmp0:
0x74: {  	[sflag:s10] =	ssyncset.done $0x0;
	(pc) =	sbr.rel @p0 .LBB2_1-.Ltmp0, $4  }
0x75: {  	[sflag:s10] =	ssyncadd.s32 $0xFFFF4000  }
0x76: {  	_ =	swait.ge [sflag:s31], $0x2000  }
0x77: {  	[sflag:s31] =	ssyncset.done $0x0  }
0x78: {  	s6 =	sadd.s32 $0xFFFFFFFF, s6;
	[sflag:s31] =	ssyncadd.s32 $0xFFFFE000  }
0x79: {  	_ =	sfence.sel $0x180000  }
0x7a: {  	[bflag:$0x0] =	sbarrier.arrive $0xFFFF  }
0x7b: {  	_ =	strace $0x90000047  }
0x7c: {  	s0 =	stileid.u32;
	[bflag:$0x2] =	sbarrier.arrive $0xFFFF  }
0x7d: {  	p0 =	sne.s32 s0, $0x0;
	s0 =	rddreg [dreg:$0x3]  }
0x7e: {  	s0 =	sadd.s32 @!p0 $0x100000, s0  }
0x7f: {  	[sflag:s0] =	ssyncadd.tile.s32 @!p0 $0x1;
	_ =	shalt  }
.Lfunc_end2:
_tile_overlayer_lowered:
.L_overlay_start_2:
0x80: {  	(tag) =	ssettag $0x2  }
0x81: {  	s0 =	rddreg [dreg:$0x0];
	s2 =	stileid.u32  }
0x82: {  	s1 =	rddreg [dreg:$0x1];
	p0 =	sne.s32 s2, $0x0  }
0x83: {  	s3 =	rddreg [dreg:$0x2];
	[bflag:$0x3] =	sbarrier.arrive $0xFFFF;
	s2 =	simm.s32 @!p0 $0x1C04  }
0x84: {  	[timem:s3], [sflag:s2] =	dma.local @!p0 [hbm:s0], s1  }
0x85: {  	s0 =	simm.s32 @!p0 $0x4  }
0x86: {  	_ =	swait.ge @!p0 [sflag:s0], s1  }
0x87: {  	s1 =	ssub.s32 @!p0 $0x0, s1;
	[sflag:s0] =	ssyncset.done @!p0 $0x0  }
0x88: {  	[sflag:s0] =	ssyncadd.s32 @!p0 s1  }
0x89: {  	[bflag:$0x3] =	sbarrier.arrive $0xFFFF  }
0x8a: {  	_ =	shalt  }

// kernel: kernel.9.cloned.1.call-start
scs
__scs_entry_jumppad:
0x0: {  	(pc) =	sbr.rel $0x88, $3  }
0x1: {  	(tag) =	ssettag $0x0;
	lr =	simm.s32 $0x1  }
0x2: {  	[smem:$0x3F9C] =	sst lr;
	_ =	strace $0xD0000000  }
0x3: {  	_ = 	snop  }
0x4: {  	_ = 	snop  }
0x5: {  	_ = 	snop  }
0x6: {  	_ = 	snop  }
0x7: {  	_ = 	snop  }
__scs_overlays_trampoline_lowered:
0x8: {  	[smem:$0x3FAB] =	sst s0  }
0x9: {  	[smem:$0x3FAC] =	sst s1  }
0xa: {  	[smem:$0x3FAD] =	sst s2  }
0xb: {  	[smem:$0x3FAE] =	sst s3  }
0xc: {  	[smem:$0x3FAF] =	sst s4  }
0xd: {  	[smem:$0x3FB0] =	sst s5  }
0xe: {  	[smem:$0x3FB1] =	sst s6  }
0xf: {  	[smem:$0x3FB2] =	sst s7  }
0x10: {  	[smem:$0x3FB3] =	sst s8  }
0x11: {  	[smem:$0x3FB4] =	sst s9;
	s0 =	simm.s32 @!p0 $0x0  }
0x12: {  	s1 =	sld [smem:$0x3F9A];
	s0 =	simm.s32 @p0 $0x1  }
0x13: {  	[smem:$0x3FB5] =	sst s0;
	s0 =	simm.s32 @!p1 $0x0  }
0x14: {  	s2 =	sld [smem:$0x3F99];
	s0 =	simm.s32 @p1 $0x1  }
0x15: {  	[smem:$0x3FB6] =	sst s0;
	s0 =	simm.s32 @!p2 $0x0  }
0x16: {  	s3 =	sld [smem:$0x3FDB];
	s0 =	simm.s32 @p2 $0x1  }
0x17: {  	s4 =	simm.s32 $0x1BF5;
	[smem:$0x3FB8] =	sst s0  }
0x18: {  	s0 =	sld [smem:$0x3F9B];
	_ =	swait.ge [sflag:s4], $0x0  }
0x19: {  	s7 =	sld [smem:$0x3F9C]  }
0x1a: {  	s8 =	sadd.s32 $0xFFFFE003, lr  }
0x1b: {  	s9 =	sadd.s32 $0xFFFFFEF7, lr;
	s5 =	simm.s32 $0xFFFFFFFF;
	p2 =	slt.u32 s8, $0xFFFFF086  }
0x1c: {  	p1 =	slt.u32 s9, $0xF7A;
	s5 =	simm.s32 @!p2 $0x0  }
0x1d: {  	s5 =	simm.s32 @p1 $0x1;
	p0 =	seq.s32 s7, s2  }
0x1e: {  	s7 =	smul.u32 @!p0 $0xF7A, s2;
	p2 =	seq.s32 @!p0 s5, $0x0  }
0x1f: {  	s9 =	smul.u32 $0xF7A, s1;
	s8 =	simm.s32 @!p0 $0x1BF5;
	p2 =	por !p2, p0  }
0x20: {  	[sflag:s8] =	ssyncset.s32 @!p0 $0xFFFFF086;
	s6 =	sadd.s32 @!p0 s3, s7;
	s7 =	simm.s32 @!p0 $0x108  }
0x21: {  	s3 =	sadd.s32 s3, s9;
	s6 =	sadd.s32 @!p0 $0x88, s6;
	s7 =	simm.s32 @p2 $0x1082  }
0x22: {  	[simem:s7], [sflag:s8] =	dma.local @!p0 [hbm:s6], $0xF7A  }
0x23: {  	s9 =	sor.u32 $0xD0000000, s2;
	s6 =	simm.s32 $0x108;
	_ =	swait.ge @!p0 [sflag:s8], $0x0  }
0x24: {  	s3 =	sadd.s32 $0x88, s3;
	s6 =	simm.s32 @!p1 $0x1082;
	[sflag:s4] =	ssyncset.s32 $0xFFFFF086  }
0x25: {  	[simem:s6], [sflag:s4] =	dma.local [hbm:s3], $0xF7A  }
0x26: {  	[smem:$0x3F9C] =	sst s1;
	(tag) =	ssettag s2;
	_ =	strace s9  }
0x27: {  	s1 =	sld [smem:$0x3FAC]  }
0x28: {  	s2 =	sld [smem:$0x3FAD]  }
0x29: {  	s4 =	sld [smem:$0x3FAF]  }
0x2a: {  	p0 =	seq.s32 s5, $0x0;
	s5 =	sld [smem:$0x3FB0]  }
0x2b: {  	s6 =	sld [smem:$0x3FB1]  }
0x2c: {  	s7 =	sld [smem:$0x3FB2]  }
0x2d: {  	s3 =	simm.s32 $0x108;
	s8 =	sld [smem:$0x3FB3]  }
0x2e: {  	s3 =	simm.s32 @!p0 $0x1082;
	s9 =	sld [smem:$0x3FB4]  }
0x2f: {  	lr =	sadd.s32 s0, s3;
	s0 =	sld [smem:$0x3FAB]  }
0x30: {  	s3 =	sld [smem:$0x3FAE]  }
0x31: {  	[smem:$0x3FB7] =	sst s10  }
0x32: {  	s10 =	sld [smem:$0x3FB5];
	_ =	sdelay $0x3  }
0x33: {  	p0 =	seq.s32 s10, $0x1;
	s10 =	sld [smem:$0x3FB7];
	_ =	sdelay $0x3  }
0x34: {  	[smem:$0x3FB7] =	sst s10  }
0x35: {  	s10 =	sld [smem:$0x3FB6];
	_ =	sdelay $0x3  }
0x36: {  	p1 =	seq.s32 s10, $0x1;
	s10 =	sld [smem:$0x3FB7];
	_ =	sdelay $0x3  }
0x37: {  	[smem:$0x3FB7] =	sst s10  }
0x38: {  	s10 =	sld [smem:$0x3FB8]  }
0x39: {  	_ = 	snop;
	(pc) =	sbr.ind lr, $3  }
0x3a: {  	_ = 	snop  }
0x3b: {  	_ = 	snop  }
0x3c: {  	p2 =	seq.s32 s10, $0x1;
	s10 =	sld [smem:$0x3FB7]  }
0x3d: {  	_ =	shalt  }
0x3e: {  	_ =	shalt  }
0x3f: {  	_ =	shalt  }
0x40: {  	_ =	shalt  }
0x41: {  	_ =	shalt  }
0x42: {  	_ =	shalt  }
0x43: {  	_ =	shalt  }
0x44: {  	_ =	shalt  }
0x45: {  	_ =	shalt  }
0x46: {  	_ =	shalt  }
0x47: {  	_ =	shalt  }
0x48: {  	_ =	shalt  }
0x49: {  	_ =	shalt  }
0x4a: {  	_ =	shalt  }
0x4b: {  	_ =	shalt  }
0x4c: {  	_ =	shalt  }
0x4d: {  	_ =	shalt  }
0x4e: {  	_ =	shalt  }
0x4f: {  	_ =	shalt  }
0x50: {  	_ =	shalt  }
0x51: {  	_ =	shalt  }
0x52: {  	_ =	shalt  }
0x53: {  	_ =	shalt  }
0x54: {  	_ =	shalt  }
0x55: {  	_ =	shalt  }
0x56: {  	_ =	shalt  }
0x57: {  	_ =	shalt  }
0x58: {  	_ =	shalt  }
0x59: {  	_ =	shalt  }
0x5a: {  	_ =	shalt  }
0x5b: {  	_ =	shalt  }
0x5c: {  	_ =	shalt  }
0x5d: {  	_ =	shalt  }
0x5e: {  	_ =	shalt  }
0x5f: {  	_ =	shalt  }
0x60: {  	_ =	shalt  }
0x61: {  	_ =	shalt  }
0x62: {  	_ =	shalt  }
0x63: {  	_ =	shalt  }
0x64: {  	_ =	shalt  }
0x65: {  	_ =	shalt  }
0x66: {  	_ =	shalt  }
0x67: {  	_ =	shalt  }
0x68: {  	_ =	shalt  }
0x69: {  	_ =	shalt  }
0x6a: {  	_ =	shalt  }
0x6b: {  	_ =	shalt  }
0x6c: {  	_ =	shalt  }
0x6d: {  	_ =	shalt  }
0x6e: {  	_ =	shalt  }
0x6f: {  	_ =	shalt  }
0x70: {  	_ =	shalt  }
0x71: {  	_ =	shalt  }
0x72: {  	_ =	shalt  }
0x73: {  	_ =	shalt  }
0x74: {  	_ =	shalt  }
0x75: {  	_ =	shalt  }
0x76: {  	_ =	shalt  }
0x77: {  	_ =	shalt  }
0x78: {  	_ =	shalt  }
0x79: {  	_ =	shalt  }
0x7a: {  	_ =	shalt  }
0x7b: {  	_ =	shalt  }
0x7c: {  	_ =	shalt  }
0x7d: {  	_ =	shalt  }
0x7e: {  	_ =	shalt  }
0x7f: {  	_ =	shalt  }
0x80: {  	_ =	shalt  }
0x81: {  	_ =	shalt  }
0x82: {  	_ =	shalt  }
0x83: {  	_ =	shalt  }
0x84: {  	_ =	shalt  }
0x85: {  	_ =	shalt  }
0x86: {  	_ =	shalt  }
0x87: {  	_ =	shalt  }
.Lfunc_end0:
.L_simem_size_0:
called_computation.1_lowered:
.L_overlay_start_0:
0x88: {  	s2 =	sld [smem:$0x3FD9]  }
0x89: {  	s3 =	sld [smem:$0x3FFE];
	_ =	sdelay $0x1  }
0x8a: {  	s1 =	srdreg.scid  }
0x8b: {  	s0 =	sand.u32 $0x1, s1  }
0x8c: {  	s14 =	sshll.u32 s0, $0xA;
	s2 =	sadd.s32 s3, s2  }
0x8d: {  	s2 =	sadd.s32 s2, s14  }
0x8e: {  	[smem:$0x3FC3] =	sst s2  }
0x8f: {  	_ = 	snop  }
0x90: {  	s2 =	sld [smem:$0x3FD0];
	_ =	sdelay $0x2  }
0x91: {  	s15 =	simm.s32 $0xA;
	s4 =	simm.s32 $0x10  }
0x92: {  	[smem:s4], [sflag:s15] =	dma.local [hbm:s2], $0x1  }
0x93: {  	_ =	swait.eq [sflag:s15], $0x1  }
0x94: {  	[sflag:s15] =	ssyncset.done $0x0  }
0x95: {  	[sflag:s15] =	ssyncadd.s32 $0xFFFFFFFF  }
0x96: {  	s16 =	sld [smem:$0x10];
	(tm) =	ssettm $0x1  }
0x97: {  	s17 =	sld [smem:$0x3FFB];
	_ =	sdelay $0x3  }
0x98: {  	_ =	strace s17  }
0x99: {  	s3 =	sld [smem:$0x3FFC];
	_ =	sdelay $0x3  }
0x9a: {  	_ =	strace s3  }
0x9b: {  	s3 =	sld [smem:$0x3FFD];
	_ =	sdelay $0x3  }
0x9c: {  	_ =	strace s3  }
0x9d: {  	_ =	strace $0x8FFFFFFF  }
0x9e: {  	s18 =	sld [smem:$0x3FDB];
	_ =	sdelay $0x1  }
0x9f: {  	s19 =	simm.s32 $_scs_section_size  }
0xa0: {  	s5 =	simm.s32 $_size__tile_overlayer_lowered;
	s6 =	simm.s32 $_tile_overlayer_lowered  }
0xa1: {  	s22 =	simm.s32 $0x1BFF;
	s21 =	sshll.u32 s6, $0x1;
	s3 =	sadd.s32 s19, s18  }
0xa2: {  	s7 =	simm.s32 $0x0;
	s20 =	sshll.u32 s5, $0x1;
	s5 =	sadd.s32 s21, s3  }
0xa3: {  	[timem:s7], [sflag:s22] =	dma.local [hbm:s5], s20  }
0xa4: {  	_ =	swait.ge [sflag:s22], s20  }
0xa5: {  	s4 =	ssub.s32 $0x0, s20;
	[sflag:s22] =	ssyncset.done $0x0  }
0xa6: {  	[sflag:s22] =	ssyncadd.s32 s4;
	_ =	sdelay $0x1  }
0xa7: {  	s23 =	simm.s32 $0x1B8B  }
0xa8: {  	_ =	swait.ge [sflag:s23], $0x1  }
0xa9: {  	[sflag:s23] =	ssyncset.done $0x0  }
0xaa: {  	s25 =	simm.s32 $0x1B8E;
	s24 =	sld [smem:$0x3FFE];
	[sflag:s23] =	ssyncadd.s32 $0xFFFFFFFF  }
0xab: {  	s26 =	simm.s32 $execute0_lowered;
	[smem:$0x3FD2] =	sst s25  }
0xac: {  	s5 =	sshll.u32 s26, $0x1;
	_ =	strace $0x80000049;
	[dreg:$0x1] =	wrdreg $0xFFFFFFFF  }
0xad: {  	s28 =	simm.s32 $_size_execute0_lowered;
	s3 =	sadd.s32 s3, s5;
	[dreg:$0x0] =	wrdreg $0x0  }
0xae: {  	s5 =	sshll.u32 s28, $0x1;
	[dreg:$0x2] =	wrdreg s3  }
0xaf: {  	[dreg:$0x3] =	wrdreg s5  }
0xb0: {  	[dreg:$0x4] =	wrdreg $0xC0  }
0xb1: {  	_ =	task [dreg:s7], $0x5FFFF  }
0xb2: {  	[dreg:$0x1] =	wrdreg $0xFFFFFFFF  }
0xb3: {  	[dreg:$0x0] =	wrdreg $0x60  }
0xb4: {  	[dreg:$0x2] =	wrdreg s24  }
0xb5: {  	[dreg:$0x3] =	wrdreg s16  }
0xb6: {  	[dreg:$0x4] =	wrdreg $0x9  }
0xb7: {  	_ =	task.clear_ibuf [dreg:s7], $0x5FFFF;
	_ =	strace $0x90000049  }
0xb8: {  	s29 =	simm.s32 $0x9;
	_ =	strace $0x8000004B  }
0xb9: {  	_ =	swait.ge [sflag:s29], $0x1  }
0xba: {  	[sflag:s29] =	ssyncadd.s32 $0xFFFFFFFF  }
0xbb: {  	_ =	strace $0x9000004B  }
0xbc: {  	_ =	sfence  }
0xbd: {  	s30 =	sld [smem:$0x0];
	_ =	sdelay $0x2  }
0xbe: {  	s31 =	sshll.u32 s1, $0xD;
	s1 =	sshrl.u32 s1, $0x2  }
0xbf: {  	s3 =	sand.u32 $0x4000, s31;
	s1 =	sadd.s32 s1, s30  }
0xc0: {  	s0 =	sor.u32 s3, s0;
	s1 =	sshll.u32 s1, $0x11  }
0xc1: {  	s0 =	sor.u32 s1, s0  }
0xc2: {  	s0 =	sadd.s32 $0x8F2B, s0  }
0xc3: {  	[sflag:s0] =	ssyncadd.remote.s32 $0x1  }
0xc4: {  	_ =	sfence.sel $0xFFFF  }
0xc5: {  	[dreg:$0x0] =	wrdreg $0xFFFFFFFF;
	(pc) =	sbr.abs _section_cstart, $3  }
0xc6: {  	[dreg:$0x1] =	wrdreg $0xFFFFFFFF  }
0xc7: {  	_ =	task.clear_ibuf [dreg:s7], $0x2FFFF;
	_ =	strace $0x9FFFFFFF  }
0xc8: {  	(tm) =	ssettm $0x7FFFFFFF  }
0xc9: {  	_ =	shalt  }
tec
execute0_lowered:
.L_overlay_start_1:
0x0: {  	(tag) =	ssettag $0x1  }
0x1: {  	s0 =	rddreg [dreg:$0x0]  }
0x2: {  	s5 =	rddreg [dreg:$0x1];
	s3 =	srdreg.scid  }
0x3: {  	s2 =	simm.s32 $0x0;
	s1 =	stileid.u32;
	s26 =	simm.s32 $0x880  }
0x4: {  	s10 =	simm.s32 $0x1880;
	s11 =	simm.s32 $0x2080;
	s12 =	simm.s32 $0x2880  }
0x5: {  	s13 =	simm.s32 $0x3080;
	s14 =	simm.s32 $0x3880;
	s15 =	simm.s32 $0x4080  }
0x6: {  	s16 =	simm.s32 $0x4880;
	s17 =	simm.s32 $0x5080;
	s18 =	simm.s32 $0x5880  }
0x7: {  	s19 =	simm.s32 $0x6080;
	s20 =	simm.s32 $0x6880;
	s21 =	simm.s32 $0x7080  }
0x8: {  	s22 =	simm.s32 $0x7880;
	s28 =	simm.s32 $0xA080;
	s29 =	simm.s32 $0xA880  }
0x9: {  	s30 =	simm.s32 $0xB080;
	s31 =	simm.s32 $0xB880;
	s3 =	sand.u32 $0x1, s3  }
0xa: {  	[smem:$0x7FF] =	sst s2;
	s4 =	sshll.u32 s1, $0x4;
	s6 =	sshll.u32 s3, $0x3  }
0xb: {  	_ =	strace $0x8000004A;
	s23 =	ssub.s32 $0x2, s3;
	s3 =	sadd.s32 $0x9200, s0  }
0xc: {  	[dreg:$0x5] =	wrdreg s26;
	s26 =	simm.s32 $0x9880;
	s4 =	sor.u32 s6, s4  }
0xd: {  	s8 =	sshrl.u32 s23, $0x1;
	s7 =	sadd.s32 s4, s0;
	s9 =	smul.u32 $0x300, s4  }
0xe: {  	s6 =	ssub.s32 s23, s8;
	s4 =	sadd.s32 $0x9300, s0;
	s8 =	simm.s32 $0x80  }
0xf: {  	s23 =	simm.s32 $0x8080;
	s24 =	sadd.s32 $0x9000, s7;
	s6 =	smax.u32 s6, $0x1  }
0x10: {  	v2 =	vlaneseq.u32;
	s7 =	simm.s32 $0x2;
	[dreg:$0x3] =	wrdreg s24;
	s25 =	sadd.s32 s5, s9  }
0x11: {  	vm0 =	vmmov $0xffff;
	v1 =	vshrl.u32 v2, $0x3;
	s5 =	sadd.s32 $0x9400, s0;
	s9 =	simm.s32 $0x1080;
	s24 =	simm.s32 $0x8880  }
0x12: {  	v0 =	vand.u32 $0x7, v2;
	v2 =	vor.u32 $0x8, v2;
	v1 =	vmul.u32 $0x8, v1;
	s0 =	simm.s32 $0x1;
	[dreg:$0x4] =	wrdreg s25;
	s25 =	simm.s32 $0x9080  }
.LBB2_1:
0x13: {  	s1 =	rddreg [dreg:$0x3]  }
0x14: {  	[tilespmem:s2], [sflag:$0x2] =	stream.linear.gather [hbm4b:s1+s2], $0x40, $0x38;
	[tilespmem:$0xC080] =	vst v63  }
0x15: {  	_ =	swait.ge [sflag:s7], $0x40  }
0x16: {  	[sflag:s7] =	ssyncset.done $0x0  }
0x17: {  	[sflag:s7] =	ssyncadd.s32 $0xFFFFFFC0  }
0x18: {  	v3 =	vld [tilespmem:$0x0];
	_ =	sdelay $0x4  }
0x19: {  	v4 =	vshrl.u32 v3, $0x3  }
0x1a: {  	v4 =	vmul.u32 $0x30, v4  }
0x1b: {  	v3 =	vand.u32 $0x7, v3  }
0x1c: {  	v3 =	vor.u32 v3, v4  }
0x1d: {  	v4 =	vperm.xlane v3, v0;
	_ =	sdelay $0x1  }
0x1e: {  	v4 =	vadd.s32 v1, v4;
	_ =	sdelay $0x3  }
0x1f: {  	v3 =	vperm.xlane v3, v2  }
0x20: {  	[tilespmem:s8], [sflag:$0x1] =	stream.indirect_vreg.gather [hbm4b:s3+s2], $0x80, v4, vm0, $0xb8;
	[tilespmem:$0xC080] =	vst v63  }
0x21: {  	s1 =	rddreg [dreg:$0x5];
	v3 =	vadd.s32 v1, v3  }
0x22: {  	[tilespmem:s1], [sflag:$0x1] =	stream.indirect_vreg.gather [hbm4b:s4+s2], $0x80, v4, vm0, $0xb8;
	[tilespmem:$0xC080] =	vst v63  }
0x23: {  	_ = 	snop  }
0x24: {  	[tilespmem:s9], [sflag:$0x1] =	stream.indirect_vreg.gather [hbm4b:s5+s2], $0x80, v4, vm0, $0xb8;
	[tilespmem:$0xC080] =	vst v63  }
0x25: {  	_ = 	snop  }
0x26: {  	[tilespmem:s10], [sflag:$0x1] =	stream.indirect_vreg.gather [hbm4b:s3+s2], $0x80, v3, vm0, $0xb8;
	[tilespmem:$0xC080] =	vst v63  }
0x27: {  	_ = 	snop  }
0x28: {  	[tilespmem:s11], [sflag:$0x1] =	stream.indirect_vreg.gather [hbm4b:s4+s2], $0x80, v3, vm0, $0xb8;
	[tilespmem:$0xC080] =	vst v63  }
0x29: {  	_ = 	snop  }
0x2a: {  	[tilespmem:s12], [sflag:$0x1] =	stream.indirect_vreg.gather [hbm4b:s5+s2], $0x80, v3, vm0, $0xb8;
	[tilespmem:$0xC080] =	vst v63  }
0x2b: {  	v3 =	vld [tilespmem:$0x10];
	_ =	sdelay $0x4  }
0x2c: {  	v61 =	vshrl.u32 v3, $0x3  }
0x2d: {  	v4 =	vmul.u32 $0x30, v61  }
0x2e: {  	v3 =	vand.u32 $0x7, v3  }
0x2f: {  	v3 =	vor.u32 v3, v4  }
0x30: {  	v4 =	vperm.xlane v3, v0;
	_ =	sdelay $0x1  }
0x31: {  	v4 =	vadd.s32 v1, v4;
	_ =	sdelay $0x3  }
0x32: {  	v3 =	vperm.xlane v3, v2  }
0x33: {  	[tilespmem:s13], [sflag:$0x1] =	stream.indirect_vreg.gather [hbm4b:s3+s2], $0x80, v4, vm0, $0xb8;
	[tilespmem:$0xC080] =	vst v63  }
0x34: {  	v3 =	vadd.s32 v1, v3  }
0x35: {  	[tilespmem:s14], [sflag:$0x1] =	stream.indirect_vreg.gather [hbm4b:s4+s2], $0x80, v4, vm0, $0xb8;
	[tilespmem:$0xC080] =	vst v63  }
0x36: {  	_ = 	snop  }
0x37: {  	[tilespmem:s15], [sflag:$0x1] =	stream.indirect_vreg.gather [hbm4b:s5+s2], $0x80, v4, vm0, $0xb8;
	[tilespmem:$0xC080] =	vst v63  }
0x38: {  	_ = 	snop  }
0x39: {  	[tilespmem:s16], [sflag:$0x1] =	stream.indirect_vreg.gather [hbm4b:s3+s2], $0x80, v3, vm0, $0xb8;
	[tilespmem:$0xC080] =	vst v63  }
0x3a: {  	_ = 	snop  }
0x3b: {  	[tilespmem:s17], [sflag:$0x1] =	stream.indirect_vreg.gather [hbm4b:s4+s2], $0x80, v3, vm0, $0xb8;
	[tilespmem:$0xC080] =	vst v63  }
0x3c: {  	_ = 	snop  }
0x3d: {  	[tilespmem:s18], [sflag:$0x1] =	stream.indirect_vreg.gather [hbm4b:s5+s2], $0x80, v3, vm0, $0xb8;
	[tilespmem:$0xC080] =	vst v63  }
0x3e: {  	v3 =	vld [tilespmem:$0x20];
	_ =	sdelay $0x4  }
0x3f: {  	v62 =	vshrl.u32 v3, $0x3  }
0x40: {  	v4 =	vmul.u32 $0x30, v62  }
0x41: {  	v3 =	vand.u32 $0x7, v3  }
0x42: {  	v3 =	vor.u32 v3, v4  }
0x43: {  	v4 =	vperm.xlane v3, v0;
	_ =	sdelay $0x1  }
0x44: {  	v4 =	vadd.s32 v1, v4;
	_ =	sdelay $0x3  }
0x45: {  	v3 =	vperm.xlane v3, v2  }
0x46: {  	[tilespmem:s19], [sflag:$0x1] =	stream.indirect_vreg.gather [hbm4b:s3+s2], $0x80, v4, vm0, $0xb8;
	[tilespmem:$0xC080] =	vst v63  }
0x47: {  	v3 =	vadd.s32 v1, v3  }
0x48: {  	[tilespmem:s20], [sflag:$0x1] =	stream.indirect_vreg.gather [hbm4b:s4+s2], $0x80, v4, vm0, $0xb8;
	[tilespmem:$0xC080] =	vst v63  }
0x49: {  	_ = 	snop  }
0x4a: {  	[tilespmem:s21], [sflag:$0x1] =	stream.indirect_vreg.gather [hbm4b:s5+s2], $0x80, v4, vm0, $0xb8;
	[tilespmem:$0xC080] =	vst v63  }
0x4b: {  	_ = 	snop  }
0x4c: {  	[tilespmem:s22], [sflag:$0x1] =	stream.indirect_vreg.gather [hbm4b:s3+s2], $0x80, v3, vm0, $0xb8;
	[tilespmem:$0xC080] =	vst v63  }
0x4d: {  	_ = 	snop  }
0x4e: {  	[tilespmem:s23], [sflag:$0x1] =	stream.indirect_vreg.gather [hbm4b:s4+s2], $0x80, v3, vm0, $0xb8;
	[tilespmem:$0xC080] =	vst v63  }
0x4f: {  	_ = 	snop  }
0x50: {  	[tilespmem:s24], [sflag:$0x1] =	stream.indirect_vreg.gather [hbm4b:s5+s2], $0x80, v3, vm0, $0xb8;
	[tilespmem:$0xC080] =	vst v63  }
0x51: {  	v3 =	vld [tilespmem:$0x30];
	_ =	sdelay $0x4  }
0x52: {  	v63 =	vshrl.u32 v3, $0x3  }
0x53: {  	v4 =	vmul.u32 $0x30, v63  }
0x54: {  	v3 =	vand.u32 $0x7, v3  }
0x55: {  	v3 =	vor.u32 v3, v4  }
0x56: {  	v4 =	vperm.xlane v3, v0;
	_ =	sdelay $0x1  }
0x57: {  	v4 =	vadd.s32 v1, v4;
	_ =	sdelay $0x3  }
0x58: {  	v3 =	vperm.xlane v3, v2  }
0x59: {  	[tilespmem:s25], [sflag:$0x1] =	stream.indirect_vreg.gather [hbm4b:s3+s2], $0x80, v4, vm0, $0xb8;
	[tilespmem:$0xC080] =	vst v63  }
0x5a: {  	v3 =	vadd.s32 v1, v3  }
0x5b: {  	[tilespmem:s26], [sflag:$0x1] =	stream.indirect_vreg.gather [hbm4b:s4+s2], $0x80, v4, vm0, $0xb8;
	[tilespmem:$0xC080] =	vst v63  }
0x5c: {  	_ = 	snop  }
0x5d: {  	[tilespmem:s28], [sflag:$0x1] =	stream.indirect_vreg.gather [hbm4b:s5+s2], $0x80, v4, vm0, $0xb8;
	[tilespmem:$0xC080] =	vst v63  }
0x5e: {  	_ = 	snop  }
0x5f: {  	[tilespmem:s29], [sflag:$0x1] =	stream.indirect_vreg.gather [hbm4b:s3+s2], $0x80, v3, vm0, $0xb8;
	[tilespmem:$0xC080] =	vst v63  }
0x60: {  	_ = 	snop  }
0x61: {  	[tilespmem:s30], [sflag:$0x1] =	stream.indirect_vreg.gather [hbm4b:s4+s2], $0x80, v3, vm0, $0xb8;
	[tilespmem:$0xC080] =	vst v63  }
0x62: {  	_ = 	snop  }
0x63: {  	[tilespmem:s31], [sflag:$0x1] =	stream.indirect_vreg.gather [hbm4b:s5+s2], $0x80, v3, vm0, $0xb8;
	[tilespmem:$0xC080] =	vst v63  }
0x64: {  	_ =	swait.ge [sflag:s0], $0xC000  }
0x65: {  	p0 =	sne.s32 s6, $0x1;
	[sflag:s0] =	ssyncset.done $0x0  }
.Ltmp0:
0x66: {  	s1 =	rddreg [dreg:$0x4];
	[sflag:s0] =	ssyncadd.s32 $0xFFFF4000;
	(pc) =	sbr.rel @p0 .LBB2_1-.Ltmp0, $4  }
0x67: {  	[hbm4b:s1+s2] =	stream.linear.scatter [tilespmem:s8], [sflag:$0x2], $0xC000, $0x38;
	[tilespmem:$0xC080] =	vst v63  }
0x68: {  	_ =	swait.ge [sflag:s7], $0xC000  }
0x69: {  	[sflag:s7] =	ssyncset.done $0x0  }
0x6a: {  	s6 =	sadd.s32 $0xFFFFFFFF, s6;
	[sflag:s7] =	ssyncadd.s32 $0xFFFF4000  }
0x6b: {  	_ =	sfence.sel $0x180000  }
0x6c: {  	[bflag:$0x0] =	sbarrier.arrive $0xFFFF  }
0x6d: {  	_ =	strace $0x9000004A  }
0x6e: {  	s0 =	stileid.u32;
	[bflag:$0x2] =	sbarrier.arrive $0xFFFF  }
0x6f: {  	p0 =	sne.s32 s0, $0x0;
	s0 =	rddreg [dreg:$0x2]  }
0x70: {  	s0 =	sadd.s32 @!p0 $0x100000, s0  }
0x71: {  	[sflag:s0] =	ssyncadd.tile.s32 @!p0 $0x1;
	_ =	shalt  }
.Lfunc_end2:
_tile_overlayer_lowered:
.L_overlay_start_2:
0x72: {  	(tag) =	ssettag $0x2  }
0x73: {  	s0 =	rddreg [dreg:$0x0];
	s2 =	stileid.u32  }
0x74: {  	s1 =	rddreg [dreg:$0x1];
	p0 =	sne.s32 s2, $0x0  }
0x75: {  	s3 =	rddreg [dreg:$0x2];
	[bflag:$0x3] =	sbarrier.arrive $0xFFFF;
	s2 =	simm.s32 @!p0 $0x1C02  }
0x76: {  	[timem:s3], [sflag:s2] =	dma.local @!p0 [hbm:s0], s1  }
0x77: {  	s0 =	simm.s32 @!p0 $0x2  }
0x78: {  	_ =	swait.ge @!p0 [sflag:s0], s1  }
0x79: {  	s1 =	ssub.s32 @!p0 $0x0, s1;
	[sflag:s0] =	ssyncset.done @!p0 $0x0  }
0x7a: {  	[sflag:s0] =	ssyncadd.s32 @!p0 s1  }
0x7b: {  	[bflag:$0x3] =	sbarrier.arrive $0xFFFF  }
0x7c: {  	_ =	shalt  }

</sc_bundles>
